<compile_context>
chip_gen: v7x
topology: tpu7x:2x2x1
jax: 0.10.2.dev20260603
libtpu: 0.0.44.dev20260713+nightly
codegen_flags: <defaults>
</compile_context>

<pallas_src>
import functools

import jax
import jax.numpy as jnp
from jax import lax
from jax.experimental import pallas as pl
from jax.experimental.pallas import tpu as pltpu
from jax.experimental.pallas import tpu_sc as plsc

N_NODES = 10000
D = 128

NC = 2
NS = 16
NW = NC * NS

CHUNK = 128
NBUF = 2
NCH = 80
HALF = NCH // 2
EDGES_PER_TILE = NCH * CHUNK
E_PAD = NW * EDGES_PER_TILE

ACC_ROWS = 10112
ZROWS = ACC_ROWS // NS
DUMMY_ROW = ACC_ROWS - 1


def _mm_body(x_ref, w_ref, o_ref):
    o_ref[...] = jnp.dot(x_ref[...], w_ref[...],
                         preferred_element_type=jnp.float32)


def _matmul(feature, weight):
    n = feature.shape[0]
    blk = 1000
    return pl.pallas_call(
        _mm_body,
        grid=(n // blk,),
        in_specs=[
            pl.BlockSpec((blk, D), lambda i: (i, 0)),
            pl.BlockSpec((D, D), lambda i: (0, 0)),
        ],
        out_specs=pl.BlockSpec((blk, D), lambda i: (i, 0)),
        out_shape=jax.ShapeDtypeStruct((n, D), jnp.float32),
    )(feature, weight)


def _add_body(p_ref, o_ref):
    o_ref[...] = p_ref[0] + p_ref[1]


def _combine(partial, n):
    blk = 1000
    return pl.pallas_call(
        _add_body,
        grid=(n // blk,),
        in_specs=[pl.BlockSpec((2, blk, D), lambda i: (0, i, 0))],
        out_specs=pl.BlockSpec((blk, D), lambda i: (i, 0)),
        out_shape=jax.ShapeDtypeStruct((n, D), jnp.float32),
    )(partial)


_MESH = plsc.VectorSubcoreMesh(core_axis_name="c", subcore_axis_name="s",
                               num_cores=NC, num_subcores=NS)


@functools.partial(
    pl.kernel,
    out_type=jax.ShapeDtypeStruct((NC, ACC_ROWS, D), jnp.float32),
    mesh=_MESH,
    scratch_types=[
        pltpu.VMEM((HALF, CHUNK), jnp.int32),
        pltpu.VMEM((HALF, CHUNK), jnp.int32),
        pltpu.VMEM((CHUNK, D), jnp.float32),
        pltpu.VMEM((CHUNK, D), jnp.float32),
        pltpu.VMEM_SHARED((ACC_ROWS, D), jnp.float32),
    ] + [pltpu.SemaphoreType.DMA] * 8,
)
def _scatter_gather(h_hbm, src_hbm, dst_hbm, zeros_hbm, out_hbm,
                    src_v, dst_v, buf0, buf1, acc,
                    sem0, sem1, sem2, sem3, sem4, sem5, sem6, sem7):
    cid = lax.axis_index("c")
    sid = lax.axis_index("s")
    wid = sid * NC + cid

    bufs2 = (buf0, buf1)
    sems = ((sem0, sem1, sem2, sem3), (sem4, sem5, sem6, sem7))
    HC = CHUNK // 4

    pltpu.sync_copy(zeros_hbm, acc.at[pl.ds(sid * ZROWS, ZROWS)])
    plsc.subcore_barrier()

    for half in range(NCH // HALF):
        pltpu.sync_copy(src_hbm.at[wid, pl.ds(half * HALF, HALF)], src_v)
        pltpu.sync_copy(dst_hbm.at[wid, pl.ds(half * HALF, HALF)], dst_v)

        for b in range(2):
            for hh in range(4):
                pltpu.async_copy(
                    h_hbm.at[src_v.at[b, pl.ds(hh * HC, HC)]],
                    bufs2[b].at[pl.ds(hh * HC, HC)], sems[b][hh])

        @pl.loop(0, HALF, step=2)
        def _(j):
            for b in range(2):
                jj = j + b
                for hh in range(4):
                    pltpu.make_async_copy(
                        h_hbm.at[src_v.at[jj, pl.ds(hh * HC, HC)]],
                        bufs2[b].at[pl.ds(hh * HC, HC)], sems[b][hh]).wait()
                pltpu.sync_copy(bufs2[b], acc.at[dst_v.at[jj]], add=True)

                nxt = jj + 2

                @pl.when(nxt < HALF)
                def _():
                    for hh in range(4):
                        pltpu.async_copy(
                            h_hbm.at[src_v.at[nxt, pl.ds(hh * HC, HC)]],
                            bufs2[b].at[pl.ds(hh * HC, HC)], sems[b][hh])

    plsc.subcore_barrier()
    pltpu.sync_copy(acc.at[pl.ds(sid * ZROWS, ZROWS)],
                    out_hbm.at[cid, pl.ds(sid * ZROWS, ZROWS)])


@jax.jit
def kernel(feature, edge_index, weight):
    n_edges = edge_index.shape[1]
    pad = E_PAD - n_edges
    src = jnp.concatenate(
        [edge_index[0], jnp.zeros((pad,), jnp.int32)]).reshape(NW, NCH, CHUNK)
    dst = jnp.concatenate(
        [edge_index[1], jnp.full((pad,), DUMMY_ROW, jnp.int32)]
    ).reshape(NW, NCH, CHUNK)
    zeros = jnp.zeros((ZROWS, D), jnp.float32)

    h = _matmul(feature, weight)
    partial = _scatter_gather(h, src, dst, zeros)
    return _combine(partial, feature.shape[0])

# --- scband reference (transcript-rebuilt; emitter-appended) ---
"""Pipeline reference for scband-my-gcnlayer-44547400794683 (READ-ONLY COPY).

The authoritative reference and input builder live on the scoring server;
editing this copy changes nothing except your own understanding.
"""

import jax, jax.numpy as jnp
import numpy as np

N_NODES = 10000
N_EDGES = 320000
D_IN = 128
D_OUT = 128


def setup_inputs(seed: int = 0) -> dict:
    key = jax.random.key(seed)
    k1, k2, k3 = jax.random.split(key, 3)
    feature = jax.random.normal(k1, (N_NODES, D_IN), dtype=jnp.float32)
    edge_index = jax.random.randint(k2, (2, N_EDGES), 0, N_NODES, dtype=jnp.int32)
    # learned parameter: torch.rand(in_dim, out_dim) -> uniform [0,1)
    weight = jax.random.uniform(k3, (D_IN, D_OUT), dtype=jnp.float32)
    return {"feature": feature, "edge_index": edge_index, "weight": weight}


def reference(feature, edge_index, weight):
    # Faithful translation of the custom mygraph.gcn kernel semantics:
    # GCN layer with sum aggregation over in-edges:
    #   h = feature @ W ; out[dst] = sum over edges (src->dst) of h[src]
    src = edge_index[0]
    dst = edge_index[1]
    h = feature @ weight                                  # dense transform [N, D_OUT]
    msgs = jnp.take(h, src, axis=0)                       # gather per-edge messages [E, D_OUT]
    out_feature = jax.ops.segment_sum(msgs, dst, num_segments=feature.shape[0])  # scatter-add to dst
    return out_feature

if __name__ == "__main__":
    import jax
    _d = setup_inputs()
    print(jax.jit(kernel)(*tuple(_d.values())))

</pallas_src>

<mosaic_0001>
#map = affine_map<(d0, d1) -> (0, 0)>
#map1 = affine_map<(d0, d1) -> (0, 0, 0)>
module attributes {stable_mosaic.version = 14 : i64} {
  func.func @_scatter_gather(%arg0: i32, %arg1: i32, %arg2: memref<10000x128xf32, #tpu.memory_space<hbm>>, %arg3: memref<32x80x128xi32, #tpu.memory_space<hbm>>, %arg4: memref<32x80x128xi32, #tpu.memory_space<hbm>>, %arg5: memref<632x128xf32, #tpu.memory_space<hbm>>, %arg6: memref<2x10112x128xf32, #tpu.memory_space<hbm>>, %arg7: memref<40x128xi32, #tpu.memory_space<vmem>>, %arg8: memref<40x128xi32, #tpu.memory_space<vmem>>, %arg9: memref<128x128xf32, #tpu.memory_space<vmem>>, %arg10: memref<128x128xf32, #tpu.memory_space<vmem>>, %arg11: memref<10112x128xf32, #tpu.memory_space<vmem_shared>>, %arg12: memref<!tpu.dma_semaphore, #tpu.memory_space<semaphore_mem>>, %arg13: memref<!tpu.dma_semaphore, #tpu.memory_space<semaphore_mem>>, %arg14: memref<!tpu.dma_semaphore, #tpu.memory_space<semaphore_mem>>, %arg15: memref<!tpu.dma_semaphore, #tpu.memory_space<semaphore_mem>>, %arg16: memref<!tpu.dma_semaphore, #tpu.memory_space<semaphore_mem>>, %arg17: memref<!tpu.dma_semaphore, #tpu.memory_space<semaphore_mem>>, %arg18: memref<!tpu.dma_semaphore, #tpu.memory_space<semaphore_mem>>, %arg19: memref<!tpu.dma_semaphore, #tpu.memory_space<semaphore_mem>>) attributes {dimension_semantics = [#tpu.dimension_semantics<core_parallel>, #tpu.dimension_semantics<subcore_parallel>], iteration_bounds = array<i64: 2, 16>, scalar_prefetch = 0 : i64, scratch_operands = 13 : i64, tpu.core_type = #tpu.core_type<sc_vector_subcore>, window_params = [{transform_indices = #map}, {transform_indices = #map1}, {transform_indices = #map1}, {transform_indices = #map}, {transform_indices = #map1}]} {
    %mul3A = arith.constant 2 : i32
    %mul3A_0 = arith.muli %arg1, %mul3A : i32
    %add3A = arith.addi %mul3A_0, %arg0 : i32
    %mul3A_1 = arith.constant 632 : i32
    %mul3A_2 = arith.muli %arg1, %mul3A_1 : i32
    "tpu.region"() ({
      %run_scoped3A = tpu.sem_alloc : memref<!tpu.dma_semaphore, #tpu.memory_space<semaphore_mem>>
      %dma_start3A_176 = arith.constant 0 : i32
      %dma_start3A_177 = tpu.memref_slice %arg11[%mul3A_2, %dma_start3A_176] : memref<10112x128xf32, #tpu.memory_space<vmem_shared>> -> memref<632x128xf32, #tpu.memory_space<vmem_shared>>
      tpu.enqueue_dma source(%arg5 : memref<632x128xf32, #tpu.memory_space<hbm>>) target(%dma_start3A_177 : memref<632x128xf32, #tpu.memory_space<vmem_shared>>) target_semaphore(%run_scoped3A : memref<!tpu.dma_semaphore, #tpu.memory_space<semaphore_mem>>)
      %dma_wait3A = arith.constant 0 : i32
      %dma_wait3A_178 = tpu.memref_slice %arg11[%mul3A_2, %dma_wait3A] : memref<10112x128xf32, #tpu.memory_space<vmem_shared>> -> memref<632x128xf32, #tpu.memory_space<vmem_shared>>
      tpu.wait_dma2 semaphore(%run_scoped3A : memref<!tpu.dma_semaphore, #tpu.memory_space<semaphore_mem>>) src(%arg5 : memref<632x128xf32, #tpu.memory_space<hbm>>) dst(%dma_wait3A_178 : memref<632x128xf32, #tpu.memory_space<vmem_shared>>)
      tpu.yield
    }) : () -> ()
    %barrier3A = arith.constant 0 : index
    tpu.barrier barrier_id(%barrier3A)
    "tpu.region"() ({
      %run_scoped3A = tpu.sem_alloc : memref<!tpu.dma_semaphore, #tpu.memory_space<semaphore_mem>>
      %dma_start3A_176 = arith.constant 0 : i32
      %dma_start3A_177 = arith.constant 0 : i32
      %dma_start3A_178 = tpu.memref_slice %arg3[%add3A, %dma_start3A_176, %dma_start3A_177] : memref<32x80x128xi32, #tpu.memory_space<hbm>> -> memref<1x40x128xi32, #tpu.memory_space<hbm>>
      %dma_start3A_179 = tpu.memref_squeeze %dma_start3A_178 : memref<1x40x128xi32, #tpu.memory_space<hbm>> -> memref<40x128xi32, #tpu.memory_space<hbm>>
      %dma_start3A_180 = arith.constant 0 : i32
      %dma_start3A_181 = arith.constant 0 : i32
      %dma_start3A_182 = tpu.memref_slice %arg3[%add3A, %dma_start3A_180, %dma_start3A_181] : memref<32x80x128xi32, #tpu.memory_space<hbm>> -> memref<1x40x128xi32, #tpu.memory_space<hbm>>
      %dma_start3A_183 = tpu.memref_squeeze %dma_start3A_182 : memref<1x40x128xi32, #tpu.memory_space<hbm>> -> memref<40x128xi32, #tpu.memory_space<hbm>>
      tpu.enqueue_dma source(%dma_start3A_183 : memref<40x128xi32, #tpu.memory_space<hbm>>) target(%arg7 : memref<40x128xi32, #tpu.memory_space<vmem>>) target_semaphore(%run_scoped3A : memref<!tpu.dma_semaphore, #tpu.memory_space<semaphore_mem>>)
      %dma_wait3A = arith.constant 0 : i32
      %dma_wait3A_184 = arith.constant 0 : i32
      %dma_wait3A_185 = tpu.memref_slice %arg3[%add3A, %dma_wait3A, %dma_wait3A_184] : memref<32x80x128xi32, #tpu.memory_space<hbm>> -> memref<1x40x128xi32, #tpu.memory_space<hbm>>
      %dma_wait3A_186 = tpu.memref_squeeze %dma_wait3A_185 : memref<1x40x128xi32, #tpu.memory_space<hbm>> -> memref<40x128xi32, #tpu.memory_space<hbm>>
      %dma_wait3A_187 = arith.constant 0 : i32
      %dma_wait3A_188 = arith.constant 0 : i32
      %dma_wait3A_189 = tpu.memref_slice %arg3[%add3A, %dma_wait3A_187, %dma_wait3A_188] : memref<32x80x128xi32, #tpu.memory_space<hbm>> -> memref<1x40x128xi32, #tpu.memory_space<hbm>>
      %dma_wait3A_190 = tpu.memref_squeeze %dma_wait3A_189 : memref<1x40x128xi32, #tpu.memory_space<hbm>> -> memref<40x128xi32, #tpu.memory_space<hbm>>
      tpu.wait_dma2 semaphore(%run_scoped3A : memref<!tpu.dma_semaphore, #tpu.memory_space<semaphore_mem>>) src(%dma_wait3A_190 : memref<40x128xi32, #tpu.memory_space<hbm>>) dst(%arg7 : memref<40x128xi32, #tpu.memory_space<vmem>>)
      tpu.yield
    }) : () -> ()
    "tpu.region"() ({
      %run_scoped3A = tpu.sem_alloc : memref<!tpu.dma_semaphore, #tpu.memory_space<semaphore_mem>>
      %dma_start3A_176 = arith.constant 0 : i32
      %dma_start3A_177 = arith.constant 0 : i32
      %dma_start3A_178 = tpu.memref_slice %arg4[%add3A, %dma_start3A_176, %dma_start3A_177] : memref<32x80x128xi32, #tpu.memory_space<hbm>> -> memref<1x40x128xi32, #tpu.memory_space<hbm>>
      %dma_start3A_179 = tpu.memref_squeeze %dma_start3A_178 : memref<1x40x128xi32, #tpu.memory_space<hbm>> -> memref<40x128xi32, #tpu.memory_space<hbm>>
      %dma_start3A_180 = arith.constant 0 : i32
      %dma_start3A_181 = arith.constant 0 : i32
      %dma_start3A_182 = tpu.memref_slice %arg4[%add3A, %dma_start3A_180, %dma_start3A_181] : memref<32x80x128xi32, #tpu.memory_space<hbm>> -> memref<1x40x128xi32, #tpu.memory_space<hbm>>
      %dma_start3A_183 = tpu.memref_squeeze %dma_start3A_182 : memref<1x40x128xi32, #tpu.memory_space<hbm>> -> memref<40x128xi32, #tpu.memory_space<hbm>>
      tpu.enqueue_dma source(%dma_start3A_183 : memref<40x128xi32, #tpu.memory_space<hbm>>) target(%arg8 : memref<40x128xi32, #tpu.memory_space<vmem>>) target_semaphore(%run_scoped3A : memref<!tpu.dma_semaphore, #tpu.memory_space<semaphore_mem>>)
      %dma_wait3A = arith.constant 0 : i32
      %dma_wait3A_184 = arith.constant 0 : i32
      %dma_wait3A_185 = tpu.memref_slice %arg4[%add3A, %dma_wait3A, %dma_wait3A_184] : memref<32x80x128xi32, #tpu.memory_space<hbm>> -> memref<1x40x128xi32, #tpu.memory_space<hbm>>
      %dma_wait3A_186 = tpu.memref_squeeze %dma_wait3A_185 : memref<1x40x128xi32, #tpu.memory_space<hbm>> -> memref<40x128xi32, #tpu.memory_space<hbm>>
      %dma_wait3A_187 = arith.constant 0 : i32
      %dma_wait3A_188 = arith.constant 0 : i32
      %dma_wait3A_189 = tpu.memref_slice %arg4[%add3A, %dma_wait3A_187, %dma_wait3A_188] : memref<32x80x128xi32, #tpu.memory_space<hbm>> -> memref<1x40x128xi32, #tpu.memory_space<hbm>>
      %dma_wait3A_190 = tpu.memref_squeeze %dma_wait3A_189 : memref<1x40x128xi32, #tpu.memory_space<hbm>> -> memref<40x128xi32, #tpu.memory_space<hbm>>
      tpu.wait_dma2 semaphore(%run_scoped3A : memref<!tpu.dma_semaphore, #tpu.memory_space<semaphore_mem>>) src(%dma_wait3A_190 : memref<40x128xi32, #tpu.memory_space<hbm>>) dst(%arg8 : memref<40x128xi32, #tpu.memory_space<vmem>>)
      tpu.yield
    }) : () -> ()
    %dma_start3A = arith.constant 0 : i32
    %dma_start3A_3 = arith.constant 0 : i32
    %dma_start3A_4 = arith.constant 0 : i32
    %dma_start3A_5 = tpu.memref_slice %arg9[%dma_start3A_3, %dma_start3A_4] : memref<128x128xf32, #tpu.memory_space<vmem>> -> memref<32x128xf32, #tpu.memory_space<vmem>>
    %dma_start3A_6 = arith.constant 0 : i32
    %dma_start3A_7 = tpu.memref_slice %arg7[%dma_start3A, %dma_start3A_6] : memref<40x128xi32, #tpu.memory_space<vmem>> -> memref<1x32xi32, #tpu.memory_space<vmem>>
    %dma_start3A_8 = tpu.memref_squeeze %dma_start3A_7 : memref<1x32xi32, #tpu.memory_space<vmem>> -> memref<32xi32, #tpu.memory_space<vmem>>
    %dma_start3A_9 = arith.constant 0 : i32
    %dma_start3A_10 = arith.constant 0 : i32
    %dma_start3A_11 = tpu.memref_slice %arg2[%dma_start3A_9, %dma_start3A_10] : memref<10000x128xf32, #tpu.memory_space<hbm>> -> memref<10000x128xf32, #tpu.memory_space<hbm>>
    tpu.enqueue_indirect_dma source(%dma_start3A_11 : memref<10000x128xf32, #tpu.memory_space<hbm>>) target(%dma_start3A_5 : memref<32x128xf32, #tpu.memory_space<vmem>>) offsets(%dma_start3A_8 : memref<32xi32, #tpu.memory_space<vmem>>) semaphore(%arg12 : memref<!tpu.dma_semaphore, #tpu.memory_space<semaphore_mem>>)
    %dma_start3A_12 = arith.constant 0 : i32
    %dma_start3A_13 = arith.constant 32 : i32
    %dma_start3A_14 = arith.constant 0 : i32
    %dma_start3A_15 = tpu.memref_slice %arg9[%dma_start3A_13, %dma_start3A_14] : memref<128x128xf32, #tpu.memory_space<vmem>> -> memref<32x128xf32, #tpu.memory_space<vmem>>
    %dma_start3A_16 = arith.constant 32 : i32
    %dma_start3A_17 = tpu.memref_slice %arg7[%dma_start3A_12, %dma_start3A_16] : memref<40x128xi32, #tpu.memory_space<vmem>> -> memref<1x32xi32, #tpu.memory_space<vmem>>
    %dma_start3A_18 = tpu.memref_squeeze %dma_start3A_17 : memref<1x32xi32, #tpu.memory_space<vmem>> -> memref<32xi32, #tpu.memory_space<vmem>>
    %dma_start3A_19 = arith.constant 0 : i32
    %dma_start3A_20 = arith.constant 0 : i32
    %dma_start3A_21 = tpu.memref_slice %arg2[%dma_start3A_19, %dma_start3A_20] : memref<10000x128xf32, #tpu.memory_space<hbm>> -> memref<10000x128xf32, #tpu.memory_space<hbm>>
    tpu.enqueue_indirect_dma source(%dma_start3A_21 : memref<10000x128xf32, #tpu.memory_space<hbm>>) target(%dma_start3A_15 : memref<32x128xf32, #tpu.memory_space<vmem>>) offsets(%dma_start3A_18 : memref<32xi32, #tpu.memory_space<vmem>>) semaphore(%arg13 : memref<!tpu.dma_semaphore, #tpu.memory_space<semaphore_mem>>)
    %dma_start3A_22 = arith.constant 0 : i32
    %dma_start3A_23 = arith.constant 64 : i32
    %dma_start3A_24 = arith.constant 0 : i32
    %dma_start3A_25 = tpu.memref_slice %arg9[%dma_start3A_23, %dma_start3A_24] : memref<128x128xf32, #tpu.memory_space<vmem>> -> memref<32x128xf32, #tpu.memory_space<vmem>>
    %dma_start3A_26 = arith.constant 64 : i32
    %dma_start3A_27 = tpu.memref_slice %arg7[%dma_start3A_22, %dma_start3A_26] : memref<40x128xi32, #tpu.memory_space<vmem>> -> memref<1x32xi32, #tpu.memory_space<vmem>>
    %dma_start3A_28 = tpu.memref_squeeze %dma_start3A_27 : memref<1x32xi32, #tpu.memory_space<vmem>> -> memref<32xi32, #tpu.memory_space<vmem>>
    %dma_start3A_29 = arith.constant 0 : i32
    %dma_start3A_30 = arith.constant 0 : i32
    %dma_start3A_31 = tpu.memref_slice %arg2[%dma_start3A_29, %dma_start3A_30] : memref<10000x128xf32, #tpu.memory_space<hbm>> -> memref<10000x128xf32, #tpu.memory_space<hbm>>
    tpu.enqueue_indirect_dma source(%dma_start3A_31 : memref<10000x128xf32, #tpu.memory_space<hbm>>) target(%dma_start3A_25 : memref<32x128xf32, #tpu.memory_space<vmem>>) offsets(%dma_start3A_28 : memref<32xi32, #tpu.memory_space<vmem>>) semaphore(%arg14 : memref<!tpu.dma_semaphore, #tpu.memory_space<semaphore_mem>>)
    %dma_start3A_32 = arith.constant 0 : i32
    %dma_start3A_33 = arith.constant 96 : i32
    %dma_start3A_34 = arith.constant 0 : i32
    %dma_start3A_35 = tpu.memref_slice %arg9[%dma_start3A_33, %dma_start3A_34] : memref<128x128xf32, #tpu.memory_space<vmem>> -> memref<32x128xf32, #tpu.memory_space<vmem>>
    %dma_start3A_36 = arith.constant 96 : i32
    %dma_start3A_37 = tpu.memref_slice %arg7[%dma_start3A_32, %dma_start3A_36] : memref<40x128xi32, #tpu.memory_space<vmem>> -> memref<1x32xi32, #tpu.memory_space<vmem>>
    %dma_start3A_38 = tpu.memref_squeeze %dma_start3A_37 : memref<1x32xi32, #tpu.memory_space<vmem>> -> memref<32xi32, #tpu.memory_space<vmem>>
    %dma_start3A_39 = arith.constant 0 : i32
    %dma_start3A_40 = arith.constant 0 : i32
    %dma_start3A_41 = tpu.memref_slice %arg2[%dma_start3A_39, %dma_start3A_40] : memref<10000x128xf32, #tpu.memory_space<hbm>> -> memref<10000x128xf32, #tpu.memory_space<hbm>>
    tpu.enqueue_indirect_dma source(%dma_start3A_41 : memref<10000x128xf32, #tpu.memory_space<hbm>>) target(%dma_start3A_35 : memref<32x128xf32, #tpu.memory_space<vmem>>) offsets(%dma_start3A_38 : memref<32xi32, #tpu.memory_space<vmem>>) semaphore(%arg15 : memref<!tpu.dma_semaphore, #tpu.memory_space<semaphore_mem>>)
    %dma_start3A_42 = arith.constant 1 : i32
    %dma_start3A_43 = arith.constant 0 : i32
    %dma_start3A_44 = arith.constant 0 : i32
    %dma_start3A_45 = tpu.memref_slice %arg10[%dma_start3A_43, %dma_start3A_44] : memref<128x128xf32, #tpu.memory_space<vmem>> -> memref<32x128xf32, #tpu.memory_space<vmem>>
    %dma_start3A_46 = arith.constant 0 : i32
    %dma_start3A_47 = tpu.memref_slice %arg7[%dma_start3A_42, %dma_start3A_46] : memref<40x128xi32, #tpu.memory_space<vmem>> -> memref<1x32xi32, #tpu.memory_space<vmem>>
    %dma_start3A_48 = tpu.memref_squeeze %dma_start3A_47 : memref<1x32xi32, #tpu.memory_space<vmem>> -> memref<32xi32, #tpu.memory_space<vmem>>
    %dma_start3A_49 = arith.constant 0 : i32
    %dma_start3A_50 = arith.constant 0 : i32
    %dma_start3A_51 = tpu.memref_slice %arg2[%dma_start3A_49, %dma_start3A_50] : memref<10000x128xf32, #tpu.memory_space<hbm>> -> memref<10000x128xf32, #tpu.memory_space<hbm>>
    tpu.enqueue_indirect_dma source(%dma_start3A_51 : memref<10000x128xf32, #tpu.memory_space<hbm>>) target(%dma_start3A_45 : memref<32x128xf32, #tpu.memory_space<vmem>>) offsets(%dma_start3A_48 : memref<32xi32, #tpu.memory_space<vmem>>) semaphore(%arg16 : memref<!tpu.dma_semaphore, #tpu.memory_space<semaphore_mem>>)
    %dma_start3A_52 = arith.constant 1 : i32
    %dma_start3A_53 = arith.constant 32 : i32
    %dma_start3A_54 = arith.constant 0 : i32
    %dma_start3A_55 = tpu.memref_slice %arg10[%dma_start3A_53, %dma_start3A_54] : memref<128x128xf32, #tpu.memory_space<vmem>> -> memref<32x128xf32, #tpu.memory_space<vmem>>
    %dma_start3A_56 = arith.constant 32 : i32
    %dma_start3A_57 = tpu.memref_slice %arg7[%dma_start3A_52, %dma_start3A_56] : memref<40x128xi32, #tpu.memory_space<vmem>> -> memref<1x32xi32, #tpu.memory_space<vmem>>
    %dma_start3A_58 = tpu.memref_squeeze %dma_start3A_57 : memref<1x32xi32, #tpu.memory_space<vmem>> -> memref<32xi32, #tpu.memory_space<vmem>>
    %dma_start3A_59 = arith.constant 0 : i32
    %dma_start3A_60 = arith.constant 0 : i32
    %dma_start3A_61 = tpu.memref_slice %arg2[%dma_start3A_59, %dma_start3A_60] : memref<10000x128xf32, #tpu.memory_space<hbm>> -> memref<10000x128xf32, #tpu.memory_space<hbm>>
    tpu.enqueue_indirect_dma source(%dma_start3A_61 : memref<10000x128xf32, #tpu.memory_space<hbm>>) target(%dma_start3A_55 : memref<32x128xf32, #tpu.memory_space<vmem>>) offsets(%dma_start3A_58 : memref<32xi32, #tpu.memory_space<vmem>>) semaphore(%arg17 : memref<!tpu.dma_semaphore, #tpu.memory_space<semaphore_mem>>)
    %dma_start3A_62 = arith.constant 1 : i32
    %dma_start3A_63 = arith.constant 64 : i32
    %dma_start3A_64 = arith.constant 0 : i32
    %dma_start3A_65 = tpu.memref_slice %arg10[%dma_start3A_63, %dma_start3A_64] : memref<128x128xf32, #tpu.memory_space<vmem>> -> memref<32x128xf32, #tpu.memory_space<vmem>>
    %dma_start3A_66 = arith.constant 64 : i32
    %dma_start3A_67 = tpu.memref_slice %arg7[%dma_start3A_62, %dma_start3A_66] : memref<40x128xi32, #tpu.memory_space<vmem>> -> memref<1x32xi32, #tpu.memory_space<vmem>>
    %dma_start3A_68 = tpu.memref_squeeze %dma_start3A_67 : memref<1x32xi32, #tpu.memory_space<vmem>> -> memref<32xi32, #tpu.memory_space<vmem>>
    %dma_start3A_69 = arith.constant 0 : i32
    %dma_start3A_70 = arith.constant 0 : i32
    %dma_start3A_71 = tpu.memref_slice %arg2[%dma_start3A_69, %dma_start3A_70] : memref<10000x128xf32, #tpu.memory_space<hbm>> -> memref<10000x128xf32, #tpu.memory_space<hbm>>
    tpu.enqueue_indirect_dma source(%dma_start3A_71 : memref<10000x128xf32, #tpu.memory_space<hbm>>) target(%dma_start3A_65 : memref<32x128xf32, #tpu.memory_space<vmem>>) offsets(%dma_start3A_68 : memref<32xi32, #tpu.memory_space<vmem>>) semaphore(%arg18 : memref<!tpu.dma_semaphore, #tpu.memory_space<semaphore_mem>>)
    %dma_start3A_72 = arith.constant 1 : i32
    %dma_start3A_73 = arith.constant 96 : i32
    %dma_start3A_74 = arith.constant 0 : i32
    %dma_start3A_75 = tpu.memref_slice %arg10[%dma_start3A_73, %dma_start3A_74] : memref<128x128xf32, #tpu.memory_space<vmem>> -> memref<32x128xf32, #tpu.memory_space<vmem>>
    %dma_start3A_76 = arith.constant 96 : i32
    %dma_start3A_77 = tpu.memref_slice %arg7[%dma_start3A_72, %dma_start3A_76] : memref<40x128xi32, #tpu.memory_space<vmem>> -> memref<1x32xi32, #tpu.memory_space<vmem>>
    %dma_start3A_78 = tpu.memref_squeeze %dma_start3A_77 : memref<1x32xi32, #tpu.memory_space<vmem>> -> memref<32xi32, #tpu.memory_space<vmem>>
    %dma_start3A_79 = arith.constant 0 : i32
    %dma_start3A_80 = arith.constant 0 : i32
    %dma_start3A_81 = tpu.memref_slice %arg2[%dma_start3A_79, %dma_start3A_80] : memref<10000x128xf32, #tpu.memory_space<hbm>> -> memref<10000x128xf32, #tpu.memory_space<hbm>>
    tpu.enqueue_indirect_dma source(%dma_start3A_81 : memref<10000x128xf32, #tpu.memory_space<hbm>>) target(%dma_start3A_75 : memref<32x128xf32, #tpu.memory_space<vmem>>) offsets(%dma_start3A_78 : memref<32xi32, #tpu.memory_space<vmem>>) semaphore(%arg19 : memref<!tpu.dma_semaphore, #tpu.memory_space<semaphore_mem>>)
    %scan3A = arith.constant 0 : i32
    %scan3A_82 = arith.constant 20 : i32
    %scan3A_83 = arith.addi %scan3A, %scan3A_82 : i32
    %scan3A_84 = arith.constant 1 : i32
    scf.for %scan3A_176 = %scan3A to %scan3A_83 step %scan3A_84  : i32 {
      %mul3A_177 = arith.constant 2 : i32
      %mul3A_178 = arith.muli %scan3A_176, %mul3A_177 : i32
      %add3A_179 = arith.constant 0 : i32
      %add3A_180 = arith.addi %add3A_179, %mul3A_178 : i32
      %add3A_181 = arith.constant 0 : i32
      %add3A_182 = arith.addi %add3A_180, %add3A_181 : i32
      %dma_wait3A = arith.constant 0 : i32
      %dma_wait3A_183 = arith.constant 0 : i32
      %dma_wait3A_184 = tpu.memref_slice %arg9[%dma_wait3A, %dma_wait3A_183] : memref<128x128xf32, #tpu.memory_space<vmem>> -> memref<32x128xf32, #tpu.memory_space<vmem>>
      %dma_wait3A_185 = arith.constant 0 : i32
      %dma_wait3A_186 = tpu.memref_slice %arg7[%add3A_182, %dma_wait3A_185] : memref<40x128xi32, #tpu.memory_space<vmem>> -> memref<1x32xi32, #tpu.memory_space<vmem>>
      %dma_wait3A_187 = tpu.memref_squeeze %dma_wait3A_186 : memref<1x32xi32, #tpu.memory_space<vmem>> -> memref<32xi32, #tpu.memory_space<vmem>>
      %dma_wait3A_188 = arith.constant 0 : i32
      %dma_wait3A_189 = arith.constant 0 : i32
      %dma_wait3A_190 = tpu.memref_slice %arg2[%dma_wait3A_188, %dma_wait3A_189] : memref<10000x128xf32, #tpu.memory_space<hbm>> -> memref<10000x128xf32, #tpu.memory_space<hbm>>
      tpu.wait_indirect_dma semaphore(%arg12 : memref<!tpu.dma_semaphore, #tpu.memory_space<semaphore_mem>>) src(%dma_wait3A_190 : memref<10000x128xf32, #tpu.memory_space<hbm>>) dst(%dma_wait3A_184 : memref<32x128xf32, #tpu.memory_space<vmem>>)
      %dma_wait3A_191 = arith.constant 32 : i32
      %dma_wait3A_192 = arith.constant 0 : i32
      %dma_wait3A_193 = tpu.memref_slice %arg9[%dma_wait3A_191, %dma_wait3A_192] : memref<128x128xf32, #tpu.memory_space<vmem>> -> memref<32x128xf32, #tpu.memory_space<vmem>>
      %dma_wait3A_194 = arith.constant 32 : i32
      %dma_wait3A_195 = tpu.memref_slice %arg7[%add3A_182, %dma_wait3A_194] : memref<40x128xi32, #tpu.memory_space<vmem>> -> memref<1x32xi32, #tpu.memory_space<vmem>>
      %dma_wait3A_196 = tpu.memref_squeeze %dma_wait3A_195 : memref<1x32xi32, #tpu.memory_space<vmem>> -> memref<32xi32, #tpu.memory_space<vmem>>
      %dma_wait3A_197 = arith.constant 0 : i32
      %dma_wait3A_198 = arith.constant 0 : i32
      %dma_wait3A_199 = tpu.memref_slice %arg2[%dma_wait3A_197, %dma_wait3A_198] : memref<10000x128xf32, #tpu.memory_space<hbm>> -> memref<10000x128xf32, #tpu.memory_space<hbm>>
      tpu.wait_indirect_dma semaphore(%arg13 : memref<!tpu.dma_semaphore, #tpu.memory_space<semaphore_mem>>) src(%dma_wait3A_199 : memref<10000x128xf32, #tpu.memory_space<hbm>>) dst(%dma_wait3A_193 : memref<32x128xf32, #tpu.memory_space<vmem>>)
      %dma_wait3A_200 = arith.constant 64 : i32
      %dma_wait3A_201 = arith.constant 0 : i32
      %dma_wait3A_202 = tpu.memref_slice %arg9[%dma_wait3A_200, %dma_wait3A_201] : memref<128x128xf32, #tpu.memory_space<vmem>> -> memref<32x128xf32, #tpu.memory_space<vmem>>
      %dma_wait3A_203 = arith.constant 64 : i32
      %dma_wait3A_204 = tpu.memref_slice %arg7[%add3A_182, %dma_wait3A_203] : memref<40x128xi32, #tpu.memory_space<vmem>> -> memref<1x32xi32, #tpu.memory_space<vmem>>
      %dma_wait3A_205 = tpu.memref_squeeze %dma_wait3A_204 : memref<1x32xi32, #tpu.memory_space<vmem>> -> memref<32xi32, #tpu.memory_space<vmem>>
      %dma_wait3A_206 = arith.constant 0 : i32
      %dma_wait3A_207 = arith.constant 0 : i32
      %dma_wait3A_208 = tpu.memref_slice %arg2[%dma_wait3A_206, %dma_wait3A_207] : memref<10000x128xf32, #tpu.memory_space<hbm>> -> memref<10000x128xf32, #tpu.memory_space<hbm>>
      tpu.wait_indirect_dma semaphore(%arg14 : memref<!tpu.dma_semaphore, #tpu.memory_space<semaphore_mem>>) src(%dma_wait3A_208 : memref<10000x128xf32, #tpu.memory_space<hbm>>) dst(%dma_wait3A_202 : memref<32x128xf32, #tpu.memory_space<vmem>>)
      %dma_wait3A_209 = arith.constant 96 : i32
      %dma_wait3A_210 = arith.constant 0 : i32
      %dma_wait3A_211 = tpu.memref_slice %arg9[%dma_wait3A_209, %dma_wait3A_210] : memref<128x128xf32, #tpu.memory_space<vmem>> -> memref<32x128xf32, #tpu.memory_space<vmem>>
      %dma_wait3A_212 = arith.constant 96 : i32
      %dma_wait3A_213 = tpu.memref_slice %arg7[%add3A_182, %dma_wait3A_212] : memref<40x128xi32, #tpu.memory_space<vmem>> -> memref<1x32xi32, #tpu.memory_space<vmem>>
      %dma_wait3A_214 = tpu.memref_squeeze %dma_wait3A_213 : memref<1x32xi32, #tpu.memory_space<vmem>> -> memref<32xi32, #tpu.memory_space<vmem>>
      %dma_wait3A_215 = arith.constant 0 : i32
      %dma_wait3A_216 = arith.constant 0 : i32
      %dma_wait3A_217 = tpu.memref_slice %arg2[%dma_wait3A_215, %dma_wait3A_216] : memref<10000x128xf32, #tpu.memory_space<hbm>> -> memref<10000x128xf32, #tpu.memory_space<hbm>>
      tpu.wait_indirect_dma semaphore(%arg15 : memref<!tpu.dma_semaphore, #tpu.memory_space<semaphore_mem>>) src(%dma_wait3A_217 : memref<10000x128xf32, #tpu.memory_space<hbm>>) dst(%dma_wait3A_211 : memref<32x128xf32, #tpu.memory_space<vmem>>)
      "tpu.region"() ({
        %run_scoped3A = tpu.sem_alloc : memref<!tpu.dma_semaphore, #tpu.memory_space<semaphore_mem>>
        %dma_start3A_267 = arith.constant 0 : i32
        %dma_start3A_268 = tpu.memref_slice %arg8[%add3A_182, %dma_start3A_267] : memref<40x128xi32, #tpu.memory_space<vmem>> -> memref<1x128xi32, #tpu.memory_space<vmem>>
        %dma_start3A_269 = tpu.memref_squeeze %dma_start3A_268 : memref<1x128xi32, #tpu.memory_space<vmem>> -> memref<128xi32, #tpu.memory_space<vmem>>
        %dma_start3A_270 = arith.constant 0 : i32
        %dma_start3A_271 = arith.constant 0 : i32
        %dma_start3A_272 = tpu.memref_slice %arg11[%dma_start3A_270, %dma_start3A_271] : memref<10112x128xf32, #tpu.memory_space<vmem_shared>> -> memref<10112x128xf32, #tpu.memory_space<vmem_shared>>
        tpu.enqueue_indirect_dma source(%arg9 : memref<128x128xf32, #tpu.memory_space<vmem>>) target(%dma_start3A_272 : memref<10112x128xf32, #tpu.memory_space<vmem_shared>>) offsets(%dma_start3A_269 : memref<128xi32, #tpu.memory_space<vmem>>) semaphore(%run_scoped3A : memref<!tpu.dma_semaphore, #tpu.memory_space<semaphore_mem>>) {add = true}
        %dma_wait3A_273 = arith.constant 0 : i32
        %dma_wait3A_274 = tpu.memref_slice %arg8[%add3A_182, %dma_wait3A_273] : memref<40x128xi32, #tpu.memory_space<vmem>> -> memref<1x128xi32, #tpu.memory_space<vmem>>
        %dma_wait3A_275 = tpu.memref_squeeze %dma_wait3A_274 : memref<1x128xi32, #tpu.memory_space<vmem>> -> memref<128xi32, #tpu.memory_space<vmem>>
        %dma_wait3A_276 = arith.constant 0 : i32
        %dma_wait3A_277 = arith.constant 0 : i32
        %dma_wait3A_278 = tpu.memref_slice %arg11[%dma_wait3A_276, %dma_wait3A_277] : memref<10112x128xf32, #tpu.memory_space<vmem_shared>> -> memref<10112x128xf32, #tpu.memory_space<vmem_shared>>
        tpu.wait_indirect_dma semaphore(%run_scoped3A : memref<!tpu.dma_semaphore, #tpu.memory_space<semaphore_mem>>) src(%arg9 : memref<128x128xf32, #tpu.memory_space<vmem>>) dst(%dma_wait3A_278 : memref<10112x128xf32, #tpu.memory_space<vmem_shared>>)
        tpu.yield
      }) : () -> ()
      %add3A_218 = arith.constant 2 : i32
      %add3A_219 = arith.addi %add3A_182, %add3A_218 : i32
      %lt3A = arith.constant 40 : i32
      %lt3A_220 = arith.cmpi slt, %add3A_219, %lt3A : i32
      %convert_element_type3A = arith.extui %lt3A_220 : i1 to i32
      %cond3A = arith.constant 0 : i32
      %cond3A_221 = arith.cmpi ne, %convert_element_type3A, %cond3A : i32
      scf.if %cond3A_221 {
        %dma_start3A_267 = arith.constant 0 : i32
        %dma_start3A_268 = arith.constant 0 : i32
        %dma_start3A_269 = tpu.memref_slice %arg9[%dma_start3A_267, %dma_start3A_268] : memref<128x128xf32, #tpu.memory_space<vmem>> -> memref<32x128xf32, #tpu.memory_space<vmem>>
        %dma_start3A_270 = arith.constant 0 : i32
        %dma_start3A_271 = tpu.memref_slice %arg7[%add3A_219, %dma_start3A_270] : memref<40x128xi32, #tpu.memory_space<vmem>> -> memref<1x32xi32, #tpu.memory_space<vmem>>
        %dma_start3A_272 = tpu.memref_squeeze %dma_start3A_271 : memref<1x32xi32, #tpu.memory_space<vmem>> -> memref<32xi32, #tpu.memory_space<vmem>>
        %dma_start3A_273 = arith.constant 0 : i32
        %dma_start3A_274 = arith.constant 0 : i32
        %dma_start3A_275 = tpu.memref_slice %arg2[%dma_start3A_273, %dma_start3A_274] : memref<10000x128xf32, #tpu.memory_space<hbm>> -> memref<10000x128xf32, #tpu.memory_space<hbm>>
        tpu.enqueue_indirect_dma source(%dma_start3A_275 : memref<10000x128xf32, #tpu.memory_space<hbm>>) target(%dma_start3A_269 : memref<32x128xf32, #tpu.memory_space<vmem>>) offsets(%dma_start3A_272 : memref<32xi32, #tpu.memory_space<vmem>>) semaphore(%arg12 : memref<!tpu.dma_semaphore, #tpu.memory_space<semaphore_mem>>)
        %dma_start3A_276 = arith.constant 32 : i32
        %dma_start3A_277 = arith.constant 0 : i32
        %dma_start3A_278 = tpu.memref_slice %arg9[%dma_start3A_276, %dma_start3A_277] : memref<128x128xf32, #tpu.memory_space<vmem>> -> memref<32x128xf32, #tpu.memory_space<vmem>>
        %dma_start3A_279 = arith.constant 32 : i32
        %dma_start3A_280 = tpu.memref_slice %arg7[%add3A_219, %dma_start3A_279] : memref<40x128xi32, #tpu.memory_space<vmem>> -> memref<1x32xi32, #tpu.memory_space<vmem>>
        %dma_start3A_281 = tpu.memref_squeeze %dma_start3A_280 : memref<1x32xi32, #tpu.memory_space<vmem>> -> memref<32xi32, #tpu.memory_space<vmem>>
        %dma_start3A_282 = arith.constant 0 : i32
        %dma_start3A_283 = arith.constant 0 : i32
        %dma_start3A_284 = tpu.memref_slice %arg2[%dma_start3A_282, %dma_start3A_283] : memref<10000x128xf32, #tpu.memory_space<hbm>> -> memref<10000x128xf32, #tpu.memory_space<hbm>>
        tpu.enqueue_indirect_dma source(%dma_start3A_284 : memref<10000x128xf32, #tpu.memory_space<hbm>>) target(%dma_start3A_278 : memref<32x128xf32, #tpu.memory_space<vmem>>) offsets(%dma_start3A_281 : memref<32xi32, #tpu.memory_space<vmem>>) semaphore(%arg13 : memref<!tpu.dma_semaphore, #tpu.memory_space<semaphore_mem>>)
        %dma_start3A_285 = arith.constant 64 : i32
        %dma_start3A_286 = arith.constant 0 : i32
        %dma_start3A_287 = tpu.memref_slice %arg9[%dma_start3A_285, %dma_start3A_286] : memref<128x128xf32, #tpu.memory_space<vmem>> -> memref<32x128xf32, #tpu.memory_space<vmem>>
        %dma_start3A_288 = arith.constant 64 : i32
        %dma_start3A_289 = tpu.memref_slice %arg7[%add3A_219, %dma_start3A_288] : memref<40x128xi32, #tpu.memory_space<vmem>> -> memref<1x32xi32, #tpu.memory_space<vmem>>
        %dma_start3A_290 = tpu.memref_squeeze %dma_start3A_289 : memref<1x32xi32, #tpu.memory_space<vmem>> -> memref<32xi32, #tpu.memory_space<vmem>>
        %dma_start3A_291 = arith.constant 0 : i32
        %dma_start3A_292 = arith.constant 0 : i32
        %dma_start3A_293 = tpu.memref_slice %arg2[%dma_start3A_291, %dma_start3A_292] : memref<10000x128xf32, #tpu.memory_space<hbm>> -> memref<10000x128xf32, #tpu.memory_space<hbm>>
        tpu.enqueue_indirect_dma source(%dma_start3A_293 : memref<10000x128xf32, #tpu.memory_space<hbm>>) target(%dma_start3A_287 : memref<32x128xf32, #tpu.memory_space<vmem>>) offsets(%dma_start3A_290 : memref<32xi32, #tpu.memory_space<vmem>>) semaphore(%arg14 : memref<!tpu.dma_semaphore, #tpu.memory_space<semaphore_mem>>)
        %dma_start3A_294 = arith.constant 96 : i32
        %dma_start3A_295 = arith.constant 0 : i32
        %dma_start3A_296 = tpu.memref_slice %arg9[%dma_start3A_294, %dma_start3A_295] : memref<128x128xf32, #tpu.memory_space<vmem>> -> memref<32x128xf32, #tpu.memory_space<vmem>>
        %dma_start3A_297 = arith.constant 96 : i32
        %dma_start3A_298 = tpu.memref_slice %arg7[%add3A_219, %dma_start3A_297] : memref<40x128xi32, #tpu.memory_space<vmem>> -> memref<1x32xi32, #tpu.memory_space<vmem>>
        %dma_start3A_299 = tpu.memref_squeeze %dma_start3A_298 : memref<1x32xi32, #tpu.memory_space<vmem>> -> memref<32xi32, #tpu.memory_space<vmem>>
        %dma_start3A_300 = arith.constant 0 : i32
        %dma_start3A_301 = arith.constant 0 : i32
        %dma_start3A_302 = tpu.memref_slice %arg2[%dma_start3A_300, %dma_start3A_301] : memref<10000x128xf32, #tpu.memory_space<hbm>> -> memref<10000x128xf32, #tpu.memory_space<hbm>>
        tpu.enqueue_indirect_dma source(%dma_start3A_302 : memref<10000x128xf32, #tpu.memory_space<hbm>>) target(%dma_start3A_296 : memref<32x128xf32, #tpu.memory_space<vmem>>) offsets(%dma_start3A_299 : memref<32xi32, #tpu.memory_space<vmem>>) semaphore(%arg15 : memref<!tpu.dma_semaphore, #tpu.memory_space<semaphore_mem>>)
      } else {
      }
      %add3A_222 = arith.constant 1 : i32
      %add3A_223 = arith.addi %add3A_180, %add3A_222 : i32
      %dma_wait3A_224 = arith.constant 0 : i32
      %dma_wait3A_225 = arith.constant 0 : i32
      %dma_wait3A_226 = tpu.memref_slice %arg10[%dma_wait3A_224, %dma_wait3A_225] : memref<128x128xf32, #tpu.memory_space<vmem>> -> memref<32x128xf32, #tpu.memory_space<vmem>>
      %dma_wait3A_227 = arith.constant 0 : i32
      %dma_wait3A_228 = tpu.memref_slice %arg7[%add3A_223, %dma_wait3A_227] : memref<40x128xi32, #tpu.memory_space<vmem>> -> memref<1x32xi32, #tpu.memory_space<vmem>>
      %dma_wait3A_229 = tpu.memref_squeeze %dma_wait3A_228 : memref<1x32xi32, #tpu.memory_space<vmem>> -> memref<32xi32, #tpu.memory_space<vmem>>
      %dma_wait3A_230 = arith.constant 0 : i32
      %dma_wait3A_231 = arith.constant 0 : i32
      %dma_wait3A_232 = tpu.memref_slice %arg2[%dma_wait3A_230, %dma_wait3A_231] : memref<10000x128xf32, #tpu.memory_space<hbm>> -> memref<10000x128xf32, #tpu.memory_space<hbm>>
      tpu.wait_indirect_dma semaphore(%arg16 : memref<!tpu.dma_semaphore, #tpu.memory_space<semaphore_mem>>) src(%dma_wait3A_232 : memref<10000x128xf32, #tpu.memory_space<hbm>>) dst(%dma_wait3A_226 : memref<32x128xf32, #tpu.memory_space<vmem>>)
      %dma_wait3A_233 = arith.constant 32 : i32
      %dma_wait3A_234 = arith.constant 0 : i32
      %dma_wait3A_235 = tpu.memref_slice %arg10[%dma_wait3A_233, %dma_wait3A_234] : memref<128x128xf32, #tpu.memory_space<vmem>> -> memref<32x128xf32, #tpu.memory_space<vmem>>
      %dma_wait3A_236 = arith.constant 32 : i32
      %dma_wait3A_237 = tpu.memref_slice %arg7[%add3A_223, %dma_wait3A_236] : memref<40x128xi32, #tpu.memory_space<vmem>> -> memref<1x32xi32, #tpu.memory_space<vmem>>
      %dma_wait3A_238 = tpu.memref_squeeze %dma_wait3A_237 : memref<1x32xi32, #tpu.memory_space<vmem>> -> memref<32xi32, #tpu.memory_space<vmem>>
      %dma_wait3A_239 = arith.constant 0 : i32
      %dma_wait3A_240 = arith.constant 0 : i32
      %dma_wait3A_241 = tpu.memref_slice %arg2[%dma_wait3A_239, %dma_wait3A_240] : memref<10000x128xf32, #tpu.memory_space<hbm>> -> memref<10000x128xf32, #tpu.memory_space<hbm>>
      tpu.wait_indirect_dma semaphore(%arg17 : memref<!tpu.dma_semaphore, #tpu.memory_space<semaphore_mem>>) src(%dma_wait3A_241 : memref<10000x128xf32, #tpu.memory_space<hbm>>) dst(%dma_wait3A_235 : memref<32x128xf32, #tpu.memory_space<vmem>>)
      %dma_wait3A_242 = arith.constant 64 : i32
      %dma_wait3A_243 = arith.constant 0 : i32
      %dma_wait3A_244 = tpu.memref_slice %arg10[%dma_wait3A_242, %dma_wait3A_243] : memref<128x128xf32, #tpu.memory_space<vmem>> -> memref<32x128xf32, #tpu.memory_space<vmem>>
      %dma_wait3A_245 = arith.constant 64 : i32
      %dma_wait3A_246 = tpu.memref_slice %arg7[%add3A_223, %dma_wait3A_245] : memref<40x128xi32, #tpu.memory_space<vmem>> -> memref<1x32xi32, #tpu.memory_space<vmem>>
      %dma_wait3A_247 = tpu.memref_squeeze %dma_wait3A_246 : memref<1x32xi32, #tpu.memory_space<vmem>> -> memref<32xi32, #tpu.memory_space<vmem>>
      %dma_wait3A_248 = arith.constant 0 : i32
      %dma_wait3A_249 = arith.constant 0 : i32
      %dma_wait3A_250 = tpu.memref_slice %arg2[%dma_wait3A_248, %dma_wait3A_249] : memref<10000x128xf32, #tpu.memory_space<hbm>> -> memref<10000x128xf32, #tpu.memory_space<hbm>>
      tpu.wait_indirect_dma semaphore(%arg18 : memref<!tpu.dma_semaphore, #tpu.memory_space<semaphore_mem>>) src(%dma_wait3A_250 : memref<10000x128xf32, #tpu.memory_space<hbm>>) dst(%dma_wait3A_244 : memref<32x128xf32, #tpu.memory_space<vmem>>)
      %dma_wait3A_251 = arith.constant 96 : i32
      %dma_wait3A_252 = arith.constant 0 : i32
      %dma_wait3A_253 = tpu.memref_slice %arg10[%dma_wait3A_251, %dma_wait3A_252] : memref<128x128xf32, #tpu.memory_space<vmem>> -> memref<32x128xf32, #tpu.memory_space<vmem>>
      %dma_wait3A_254 = arith.constant 96 : i32
      %dma_wait3A_255 = tpu.memref_slice %arg7[%add3A_223, %dma_wait3A_254] : memref<40x128xi32, #tpu.memory_space<vmem>> -> memref<1x32xi32, #tpu.memory_space<vmem>>
      %dma_wait3A_256 = tpu.memref_squeeze %dma_wait3A_255 : memref<1x32xi32, #tpu.memory_space<vmem>> -> memref<32xi32, #tpu.memory_space<vmem>>
      %dma_wait3A_257 = arith.constant 0 : i32
      %dma_wait3A_258 = arith.constant 0 : i32
      %dma_wait3A_259 = tpu.memref_slice %arg2[%dma_wait3A_257, %dma_wait3A_258] : memref<10000x128xf32, #tpu.memory_space<hbm>> -> memref<10000x128xf32, #tpu.memory_space<hbm>>
      tpu.wait_indirect_dma semaphore(%arg19 : memref<!tpu.dma_semaphore, #tpu.memory_space<semaphore_mem>>) src(%dma_wait3A_259 : memref<10000x128xf32, #tpu.memory_space<hbm>>) dst(%dma_wait3A_253 : memref<32x128xf32, #tpu.memory_space<vmem>>)
      "tpu.region"() ({
        %run_scoped3A = tpu.sem_alloc : memref<!tpu.dma_semaphore, #tpu.memory_space<semaphore_mem>>
        %dma_start3A_267 = arith.constant 0 : i32
        %dma_start3A_268 = tpu.memref_slice %arg8[%add3A_223, %dma_start3A_267] : memref<40x128xi32, #tpu.memory_space<vmem>> -> memref<1x128xi32, #tpu.memory_space<vmem>>
        %dma_start3A_269 = tpu.memref_squeeze %dma_start3A_268 : memref<1x128xi32, #tpu.memory_space<vmem>> -> memref<128xi32, #tpu.memory_space<vmem>>
        %dma_start3A_270 = arith.constant 0 : i32
        %dma_start3A_271 = arith.constant 0 : i32
        %dma_start3A_272 = tpu.memref_slice %arg11[%dma_start3A_270, %dma_start3A_271] : memref<10112x128xf32, #tpu.memory_space<vmem_shared>> -> memref<10112x128xf32, #tpu.memory_space<vmem_shared>>
        tpu.enqueue_indirect_dma source(%arg10 : memref<128x128xf32, #tpu.memory_space<vmem>>) target(%dma_start3A_272 : memref<10112x128xf32, #tpu.memory_space<vmem_shared>>) offsets(%dma_start3A_269 : memref<128xi32, #tpu.memory_space<vmem>>) semaphore(%run_scoped3A : memref<!tpu.dma_semaphore, #tpu.memory_space<semaphore_mem>>) {add = true}
        %dma_wait3A_273 = arith.constant 0 : i32
        %dma_wait3A_274 = tpu.memref_slice %arg8[%add3A_223, %dma_wait3A_273] : memref<40x128xi32, #tpu.memory_space<vmem>> -> memref<1x128xi32, #tpu.memory_space<vmem>>
        %dma_wait3A_275 = tpu.memref_squeeze %dma_wait3A_274 : memref<1x128xi32, #tpu.memory_space<vmem>> -> memref<128xi32, #tpu.memory_space<vmem>>
        %dma_wait3A_276 = arith.constant 0 : i32
        %dma_wait3A_277 = arith.constant 0 : i32
        %dma_wait3A_278 = tpu.memref_slice %arg11[%dma_wait3A_276, %dma_wait3A_277] : memref<10112x128xf32, #tpu.memory_space<vmem_shared>> -> memref<10112x128xf32, #tpu.memory_space<vmem_shared>>
        tpu.wait_indirect_dma semaphore(%run_scoped3A : memref<!tpu.dma_semaphore, #tpu.memory_space<semaphore_mem>>) src(%arg10 : memref<128x128xf32, #tpu.memory_space<vmem>>) dst(%dma_wait3A_278 : memref<10112x128xf32, #tpu.memory_space<vmem_shared>>)
        tpu.yield
      }) : () -> ()
      %add3A_260 = arith.constant 2 : i32
      %add3A_261 = arith.addi %add3A_223, %add3A_260 : i32
      %lt3A_262 = arith.constant 40 : i32
      %lt3A_263 = arith.cmpi slt, %add3A_261, %lt3A_262 : i32
      %convert_element_type3A_264 = arith.extui %lt3A_263 : i1 to i32
      %cond3A_265 = arith.constant 0 : i32
      %cond3A_266 = arith.cmpi ne, %convert_element_type3A_264, %cond3A_265 : i32
      scf.if %cond3A_266 {
        %dma_start3A_267 = arith.constant 0 : i32
        %dma_start3A_268 = arith.constant 0 : i32
        %dma_start3A_269 = tpu.memref_slice %arg10[%dma_start3A_267, %dma_start3A_268] : memref<128x128xf32, #tpu.memory_space<vmem>> -> memref<32x128xf32, #tpu.memory_space<vmem>>
        %dma_start3A_270 = arith.constant 0 : i32
        %dma_start3A_271 = tpu.memref_slice %arg7[%add3A_261, %dma_start3A_270] : memref<40x128xi32, #tpu.memory_space<vmem>> -> memref<1x32xi32, #tpu.memory_space<vmem>>
        %dma_start3A_272 = tpu.memref_squeeze %dma_start3A_271 : memref<1x32xi32, #tpu.memory_space<vmem>> -> memref<32xi32, #tpu.memory_space<vmem>>
        %dma_start3A_273 = arith.constant 0 : i32
        %dma_start3A_274 = arith.constant 0 : i32
        %dma_start3A_275 = tpu.memref_slice %arg2[%dma_start3A_273, %dma_start3A_274] : memref<10000x128xf32, #tpu.memory_space<hbm>> -> memref<10000x128xf32, #tpu.memory_space<hbm>>
        tpu.enqueue_indirect_dma source(%dma_start3A_275 : memref<10000x128xf32, #tpu.memory_space<hbm>>) target(%dma_start3A_269 : memref<32x128xf32, #tpu.memory_space<vmem>>) offsets(%dma_start3A_272 : memref<32xi32, #tpu.memory_space<vmem>>) semaphore(%arg16 : memref<!tpu.dma_semaphore, #tpu.memory_space<semaphore_mem>>)
        %dma_start3A_276 = arith.constant 32 : i32
        %dma_start3A_277 = arith.constant 0 : i32
        %dma_start3A_278 = tpu.memref_slice %arg10[%dma_start3A_276, %dma_start3A_277] : memref<128x128xf32, #tpu.memory_space<vmem>> -> memref<32x128xf32, #tpu.memory_space<vmem>>
        %dma_start3A_279 = arith.constant 32 : i32
        %dma_start3A_280 = tpu.memref_slice %arg7[%add3A_261, %dma_start3A_279] : memref<40x128xi32, #tpu.memory_space<vmem>> -> memref<1x32xi32, #tpu.memory_space<vmem>>
        %dma_start3A_281 = tpu.memref_squeeze %dma_start3A_280 : memref<1x32xi32, #tpu.memory_space<vmem>> -> memref<32xi32, #tpu.memory_space<vmem>>
        %dma_start3A_282 = arith.constant 0 : i32
        %dma_start3A_283 = arith.constant 0 : i32
        %dma_start3A_284 = tpu.memref_slice %arg2[%dma_start3A_282, %dma_start3A_283] : memref<10000x128xf32, #tpu.memory_space<hbm>> -> memref<10000x128xf32, #tpu.memory_space<hbm>>
        tpu.enqueue_indirect_dma source(%dma_start3A_284 : memref<10000x128xf32, #tpu.memory_space<hbm>>) target(%dma_start3A_278 : memref<32x128xf32, #tpu.memory_space<vmem>>) offsets(%dma_start3A_281 : memref<32xi32, #tpu.memory_space<vmem>>) semaphore(%arg17 : memref<!tpu.dma_semaphore, #tpu.memory_space<semaphore_mem>>)
        %dma_start3A_285 = arith.constant 64 : i32
        %dma_start3A_286 = arith.constant 0 : i32
        %dma_start3A_287 = tpu.memref_slice %arg10[%dma_start3A_285, %dma_start3A_286] : memref<128x128xf32, #tpu.memory_space<vmem>> -> memref<32x128xf32, #tpu.memory_space<vmem>>
        %dma_start3A_288 = arith.constant 64 : i32
        %dma_start3A_289 = tpu.memref_slice %arg7[%add3A_261, %dma_start3A_288] : memref<40x128xi32, #tpu.memory_space<vmem>> -> memref<1x32xi32, #tpu.memory_space<vmem>>
        %dma_start3A_290 = tpu.memref_squeeze %dma_start3A_289 : memref<1x32xi32, #tpu.memory_space<vmem>> -> memref<32xi32, #tpu.memory_space<vmem>>
        %dma_start3A_291 = arith.constant 0 : i32
        %dma_start3A_292 = arith.constant 0 : i32
        %dma_start3A_293 = tpu.memref_slice %arg2[%dma_start3A_291, %dma_start3A_292] : memref<10000x128xf32, #tpu.memory_space<hbm>> -> memref<10000x128xf32, #tpu.memory_space<hbm>>
        tpu.enqueue_indirect_dma source(%dma_start3A_293 : memref<10000x128xf32, #tpu.memory_space<hbm>>) target(%dma_start3A_287 : memref<32x128xf32, #tpu.memory_space<vmem>>) offsets(%dma_start3A_290 : memref<32xi32, #tpu.memory_space<vmem>>) semaphore(%arg18 : memref<!tpu.dma_semaphore, #tpu.memory_space<semaphore_mem>>)
        %dma_start3A_294 = arith.constant 96 : i32
        %dma_start3A_295 = arith.constant 0 : i32
        %dma_start3A_296 = tpu.memref_slice %arg10[%dma_start3A_294, %dma_start3A_295] : memref<128x128xf32, #tpu.memory_space<vmem>> -> memref<32x128xf32, #tpu.memory_space<vmem>>
        %dma_start3A_297 = arith.constant 96 : i32
        %dma_start3A_298 = tpu.memref_slice %arg7[%add3A_261, %dma_start3A_297] : memref<40x128xi32, #tpu.memory_space<vmem>> -> memref<1x32xi32, #tpu.memory_space<vmem>>
        %dma_start3A_299 = tpu.memref_squeeze %dma_start3A_298 : memref<1x32xi32, #tpu.memory_space<vmem>> -> memref<32xi32, #tpu.memory_space<vmem>>
        %dma_start3A_300 = arith.constant 0 : i32
        %dma_start3A_301 = arith.constant 0 : i32
        %dma_start3A_302 = tpu.memref_slice %arg2[%dma_start3A_300, %dma_start3A_301] : memref<10000x128xf32, #tpu.memory_space<hbm>> -> memref<10000x128xf32, #tpu.memory_space<hbm>>
        tpu.enqueue_indirect_dma source(%dma_start3A_302 : memref<10000x128xf32, #tpu.memory_space<hbm>>) target(%dma_start3A_296 : memref<32x128xf32, #tpu.memory_space<vmem>>) offsets(%dma_start3A_299 : memref<32xi32, #tpu.memory_space<vmem>>) semaphore(%arg19 : memref<!tpu.dma_semaphore, #tpu.memory_space<semaphore_mem>>)
      } else {
      }
    }
    %scan3A_85 = arith.constant 20 : i32
    "tpu.region"() ({
      %run_scoped3A = tpu.sem_alloc : memref<!tpu.dma_semaphore, #tpu.memory_space<semaphore_mem>>
      %dma_start3A_176 = arith.constant 40 : i32
      %dma_start3A_177 = arith.constant 0 : i32
      %dma_start3A_178 = tpu.memref_slice %arg3[%add3A, %dma_start3A_176, %dma_start3A_177] : memref<32x80x128xi32, #tpu.memory_space<hbm>> -> memref<1x40x128xi32, #tpu.memory_space<hbm>>
      %dma_start3A_179 = tpu.memref_squeeze %dma_start3A_178 : memref<1x40x128xi32, #tpu.memory_space<hbm>> -> memref<40x128xi32, #tpu.memory_space<hbm>>
      %dma_start3A_180 = arith.constant 40 : i32
      %dma_start3A_181 = arith.constant 0 : i32
      %dma_start3A_182 = tpu.memref_slice %arg3[%add3A, %dma_start3A_180, %dma_start3A_181] : memref<32x80x128xi32, #tpu.memory_space<hbm>> -> memref<1x40x128xi32, #tpu.memory_space<hbm>>
      %dma_start3A_183 = tpu.memref_squeeze %dma_start3A_182 : memref<1x40x128xi32, #tpu.memory_space<hbm>> -> memref<40x128xi32, #tpu.memory_space<hbm>>
      tpu.enqueue_dma source(%dma_start3A_183 : memref<40x128xi32, #tpu.memory_space<hbm>>) target(%arg7 : memref<40x128xi32, #tpu.memory_space<vmem>>) target_semaphore(%run_scoped3A : memref<!tpu.dma_semaphore, #tpu.memory_space<semaphore_mem>>)
      %dma_wait3A = arith.constant 40 : i32
      %dma_wait3A_184 = arith.constant 0 : i32
      %dma_wait3A_185 = tpu.memref_slice %arg3[%add3A, %dma_wait3A, %dma_wait3A_184] : memref<32x80x128xi32, #tpu.memory_space<hbm>> -> memref<1x40x128xi32, #tpu.memory_space<hbm>>
      %dma_wait3A_186 = tpu.memref_squeeze %dma_wait3A_185 : memref<1x40x128xi32, #tpu.memory_space<hbm>> -> memref<40x128xi32, #tpu.memory_space<hbm>>
      %dma_wait3A_187 = arith.constant 40 : i32
      %dma_wait3A_188 = arith.constant 0 : i32
      %dma_wait3A_189 = tpu.memref_slice %arg3[%add3A, %dma_wait3A_187, %dma_wait3A_188] : memref<32x80x128xi32, #tpu.memory_space<hbm>> -> memref<1x40x128xi32, #tpu.memory_space<hbm>>
      %dma_wait3A_190 = tpu.memref_squeeze %dma_wait3A_189 : memref<1x40x128xi32, #tpu.memory_space<hbm>> -> memref<40x128xi32, #tpu.memory_space<hbm>>
      tpu.wait_dma2 semaphore(%run_scoped3A : memref<!tpu.dma_semaphore, #tpu.memory_space<semaphore_mem>>) src(%dma_wait3A_190 : memref<40x128xi32, #tpu.memory_space<hbm>>) dst(%arg7 : memref<40x128xi32, #tpu.memory_space<vmem>>)
      tpu.yield
    }) : () -> ()
    "tpu.region"() ({
      %run_scoped3A = tpu.sem_alloc : memref<!tpu.dma_semaphore, #tpu.memory_space<semaphore_mem>>
      %dma_start3A_176 = arith.constant 40 : i32
      %dma_start3A_177 = arith.constant 0 : i32
      %dma_start3A_178 = tpu.memref_slice %arg4[%add3A, %dma_start3A_176, %dma_start3A_177] : memref<32x80x128xi32, #tpu.memory_space<hbm>> -> memref<1x40x128xi32, #tpu.memory_space<hbm>>
      %dma_start3A_179 = tpu.memref_squeeze %dma_start3A_178 : memref<1x40x128xi32, #tpu.memory_space<hbm>> -> memref<40x128xi32, #tpu.memory_space<hbm>>
      %dma_start3A_180 = arith.constant 40 : i32
      %dma_start3A_181 = arith.constant 0 : i32
      %dma_start3A_182 = tpu.memref_slice %arg4[%add3A, %dma_start3A_180, %dma_start3A_181] : memref<32x80x128xi32, #tpu.memory_space<hbm>> -> memref<1x40x128xi32, #tpu.memory_space<hbm>>
      %dma_start3A_183 = tpu.memref_squeeze %dma_start3A_182 : memref<1x40x128xi32, #tpu.memory_space<hbm>> -> memref<40x128xi32, #tpu.memory_space<hbm>>
      tpu.enqueue_dma source(%dma_start3A_183 : memref<40x128xi32, #tpu.memory_space<hbm>>) target(%arg8 : memref<40x128xi32, #tpu.memory_space<vmem>>) target_semaphore(%run_scoped3A : memref<!tpu.dma_semaphore, #tpu.memory_space<semaphore_mem>>)
      %dma_wait3A = arith.constant 40 : i32
      %dma_wait3A_184 = arith.constant 0 : i32
      %dma_wait3A_185 = tpu.memref_slice %arg4[%add3A, %dma_wait3A, %dma_wait3A_184] : memref<32x80x128xi32, #tpu.memory_space<hbm>> -> memref<1x40x128xi32, #tpu.memory_space<hbm>>
      %dma_wait3A_186 = tpu.memref_squeeze %dma_wait3A_185 : memref<1x40x128xi32, #tpu.memory_space<hbm>> -> memref<40x128xi32, #tpu.memory_space<hbm>>
      %dma_wait3A_187 = arith.constant 40 : i32
      %dma_wait3A_188 = arith.constant 0 : i32
      %dma_wait3A_189 = tpu.memref_slice %arg4[%add3A, %dma_wait3A_187, %dma_wait3A_188] : memref<32x80x128xi32, #tpu.memory_space<hbm>> -> memref<1x40x128xi32, #tpu.memory_space<hbm>>
      %dma_wait3A_190 = tpu.memref_squeeze %dma_wait3A_189 : memref<1x40x128xi32, #tpu.memory_space<hbm>> -> memref<40x128xi32, #tpu.memory_space<hbm>>
      tpu.wait_dma2 semaphore(%run_scoped3A : memref<!tpu.dma_semaphore, #tpu.memory_space<semaphore_mem>>) src(%dma_wait3A_190 : memref<40x128xi32, #tpu.memory_space<hbm>>) dst(%arg8 : memref<40x128xi32, #tpu.memory_space<vmem>>)
      tpu.yield
    }) : () -> ()
    %dma_start3A_86 = arith.constant 0 : i32
    %dma_start3A_87 = arith.constant 0 : i32
    %dma_start3A_88 = arith.constant 0 : i32
    %dma_start3A_89 = tpu.memref_slice %arg9[%dma_start3A_87, %dma_start3A_88] : memref<128x128xf32, #tpu.memory_space<vmem>> -> memref<32x128xf32, #tpu.memory_space<vmem>>
    %dma_start3A_90 = arith.constant 0 : i32
    %dma_start3A_91 = tpu.memref_slice %arg7[%dma_start3A_86, %dma_start3A_90] : memref<40x128xi32, #tpu.memory_space<vmem>> -> memref<1x32xi32, #tpu.memory_space<vmem>>
    %dma_start3A_92 = tpu.memref_squeeze %dma_start3A_91 : memref<1x32xi32, #tpu.memory_space<vmem>> -> memref<32xi32, #tpu.memory_space<vmem>>
    %dma_start3A_93 = arith.constant 0 : i32
    %dma_start3A_94 = arith.constant 0 : i32
    %dma_start3A_95 = tpu.memref_slice %arg2[%dma_start3A_93, %dma_start3A_94] : memref<10000x128xf32, #tpu.memory_space<hbm>> -> memref<10000x128xf32, #tpu.memory_space<hbm>>
    tpu.enqueue_indirect_dma source(%dma_start3A_95 : memref<10000x128xf32, #tpu.memory_space<hbm>>) target(%dma_start3A_89 : memref<32x128xf32, #tpu.memory_space<vmem>>) offsets(%dma_start3A_92 : memref<32xi32, #tpu.memory_space<vmem>>) semaphore(%arg12 : memref<!tpu.dma_semaphore, #tpu.memory_space<semaphore_mem>>)
    %dma_start3A_96 = arith.constant 0 : i32
    %dma_start3A_97 = arith.constant 32 : i32
    %dma_start3A_98 = arith.constant 0 : i32
    %dma_start3A_99 = tpu.memref_slice %arg9[%dma_start3A_97, %dma_start3A_98] : memref<128x128xf32, #tpu.memory_space<vmem>> -> memref<32x128xf32, #tpu.memory_space<vmem>>
    %dma_start3A_100 = arith.constant 32 : i32
    %dma_start3A_101 = tpu.memref_slice %arg7[%dma_start3A_96, %dma_start3A_100] : memref<40x128xi32, #tpu.memory_space<vmem>> -> memref<1x32xi32, #tpu.memory_space<vmem>>
    %dma_start3A_102 = tpu.memref_squeeze %dma_start3A_101 : memref<1x32xi32, #tpu.memory_space<vmem>> -> memref<32xi32, #tpu.memory_space<vmem>>
    %dma_start3A_103 = arith.constant 0 : i32
    %dma_start3A_104 = arith.constant 0 : i32
    %dma_start3A_105 = tpu.memref_slice %arg2[%dma_start3A_103, %dma_start3A_104] : memref<10000x128xf32, #tpu.memory_space<hbm>> -> memref<10000x128xf32, #tpu.memory_space<hbm>>
    tpu.enqueue_indirect_dma source(%dma_start3A_105 : memref<10000x128xf32, #tpu.memory_space<hbm>>) target(%dma_start3A_99 : memref<32x128xf32, #tpu.memory_space<vmem>>) offsets(%dma_start3A_102 : memref<32xi32, #tpu.memory_space<vmem>>) semaphore(%arg13 : memref<!tpu.dma_semaphore, #tpu.memory_space<semaphore_mem>>)
    %dma_start3A_106 = arith.constant 0 : i32
    %dma_start3A_107 = arith.constant 64 : i32
    %dma_start3A_108 = arith.constant 0 : i32
    %dma_start3A_109 = tpu.memref_slice %arg9[%dma_start3A_107, %dma_start3A_108] : memref<128x128xf32, #tpu.memory_space<vmem>> -> memref<32x128xf32, #tpu.memory_space<vmem>>
    %dma_start3A_110 = arith.constant 64 : i32
    %dma_start3A_111 = tpu.memref_slice %arg7[%dma_start3A_106, %dma_start3A_110] : memref<40x128xi32, #tpu.memory_space<vmem>> -> memref<1x32xi32, #tpu.memory_space<vmem>>
    %dma_start3A_112 = tpu.memref_squeeze %dma_start3A_111 : memref<1x32xi32, #tpu.memory_space<vmem>> -> memref<32xi32, #tpu.memory_space<vmem>>
    %dma_start3A_113 = arith.constant 0 : i32
    %dma_start3A_114 = arith.constant 0 : i32
    %dma_start3A_115 = tpu.memref_slice %arg2[%dma_start3A_113, %dma_start3A_114] : memref<10000x128xf32, #tpu.memory_space<hbm>> -> memref<10000x128xf32, #tpu.memory_space<hbm>>
    tpu.enqueue_indirect_dma source(%dma_start3A_115 : memref<10000x128xf32, #tpu.memory_space<hbm>>) target(%dma_start3A_109 : memref<32x128xf32, #tpu.memory_space<vmem>>) offsets(%dma_start3A_112 : memref<32xi32, #tpu.memory_space<vmem>>) semaphore(%arg14 : memref<!tpu.dma_semaphore, #tpu.memory_space<semaphore_mem>>)
    %dma_start3A_116 = arith.constant 0 : i32
    %dma_start3A_117 = arith.constant 96 : i32
    %dma_start3A_118 = arith.constant 0 : i32
    %dma_start3A_119 = tpu.memref_slice %arg9[%dma_start3A_117, %dma_start3A_118] : memref<128x128xf32, #tpu.memory_space<vmem>> -> memref<32x128xf32, #tpu.memory_space<vmem>>
    %dma_start3A_120 = arith.constant 96 : i32
    %dma_start3A_121 = tpu.memref_slice %arg7[%dma_start3A_116, %dma_start3A_120] : memref<40x128xi32, #tpu.memory_space<vmem>> -> memref<1x32xi32, #tpu.memory_space<vmem>>
    %dma_start3A_122 = tpu.memref_squeeze %dma_start3A_121 : memref<1x32xi32, #tpu.memory_space<vmem>> -> memref<32xi32, #tpu.memory_space<vmem>>
    %dma_start3A_123 = arith.constant 0 : i32
    %dma_start3A_124 = arith.constant 0 : i32
    %dma_start3A_125 = tpu.memref_slice %arg2[%dma_start3A_123, %dma_start3A_124] : memref<10000x128xf32, #tpu.memory_space<hbm>> -> memref<10000x128xf32, #tpu.memory_space<hbm>>
    tpu.enqueue_indirect_dma source(%dma_start3A_125 : memref<10000x128xf32, #tpu.memory_space<hbm>>) target(%dma_start3A_119 : memref<32x128xf32, #tpu.memory_space<vmem>>) offsets(%dma_start3A_122 : memref<32xi32, #tpu.memory_space<vmem>>) semaphore(%arg15 : memref<!tpu.dma_semaphore, #tpu.memory_space<semaphore_mem>>)
    %dma_start3A_126 = arith.constant 1 : i32
    %dma_start3A_127 = arith.constant 0 : i32
    %dma_start3A_128 = arith.constant 0 : i32
    %dma_start3A_129 = tpu.memref_slice %arg10[%dma_start3A_127, %dma_start3A_128] : memref<128x128xf32, #tpu.memory_space<vmem>> -> memref<32x128xf32, #tpu.memory_space<vmem>>
    %dma_start3A_130 = arith.constant 0 : i32
    %dma_start3A_131 = tpu.memref_slice %arg7[%dma_start3A_126, %dma_start3A_130] : memref<40x128xi32, #tpu.memory_space<vmem>> -> memref<1x32xi32, #tpu.memory_space<vmem>>
    %dma_start3A_132 = tpu.memref_squeeze %dma_start3A_131 : memref<1x32xi32, #tpu.memory_space<vmem>> -> memref<32xi32, #tpu.memory_space<vmem>>
    %dma_start3A_133 = arith.constant 0 : i32
    %dma_start3A_134 = arith.constant 0 : i32
    %dma_start3A_135 = tpu.memref_slice %arg2[%dma_start3A_133, %dma_start3A_134] : memref<10000x128xf32, #tpu.memory_space<hbm>> -> memref<10000x128xf32, #tpu.memory_space<hbm>>
    tpu.enqueue_indirect_dma source(%dma_start3A_135 : memref<10000x128xf32, #tpu.memory_space<hbm>>) target(%dma_start3A_129 : memref<32x128xf32, #tpu.memory_space<vmem>>) offsets(%dma_start3A_132 : memref<32xi32, #tpu.memory_space<vmem>>) semaphore(%arg16 : memref<!tpu.dma_semaphore, #tpu.memory_space<semaphore_mem>>)
    %dma_start3A_136 = arith.constant 1 : i32
    %dma_start3A_137 = arith.constant 32 : i32
    %dma_start3A_138 = arith.constant 0 : i32
    %dma_start3A_139 = tpu.memref_slice %arg10[%dma_start3A_137, %dma_start3A_138] : memref<128x128xf32, #tpu.memory_space<vmem>> -> memref<32x128xf32, #tpu.memory_space<vmem>>
    %dma_start3A_140 = arith.constant 32 : i32
    %dma_start3A_141 = tpu.memref_slice %arg7[%dma_start3A_136, %dma_start3A_140] : memref<40x128xi32, #tpu.memory_space<vmem>> -> memref<1x32xi32, #tpu.memory_space<vmem>>
    %dma_start3A_142 = tpu.memref_squeeze %dma_start3A_141 : memref<1x32xi32, #tpu.memory_space<vmem>> -> memref<32xi32, #tpu.memory_space<vmem>>
    %dma_start3A_143 = arith.constant 0 : i32
    %dma_start3A_144 = arith.constant 0 : i32
    %dma_start3A_145 = tpu.memref_slice %arg2[%dma_start3A_143, %dma_start3A_144] : memref<10000x128xf32, #tpu.memory_space<hbm>> -> memref<10000x128xf32, #tpu.memory_space<hbm>>
    tpu.enqueue_indirect_dma source(%dma_start3A_145 : memref<10000x128xf32, #tpu.memory_space<hbm>>) target(%dma_start3A_139 : memref<32x128xf32, #tpu.memory_space<vmem>>) offsets(%dma_start3A_142 : memref<32xi32, #tpu.memory_space<vmem>>) semaphore(%arg17 : memref<!tpu.dma_semaphore, #tpu.memory_space<semaphore_mem>>)
    %dma_start3A_146 = arith.constant 1 : i32
    %dma_start3A_147 = arith.constant 64 : i32
    %dma_start3A_148 = arith.constant 0 : i32
    %dma_start3A_149 = tpu.memref_slice %arg10[%dma_start3A_147, %dma_start3A_148] : memref<128x128xf32, #tpu.memory_space<vmem>> -> memref<32x128xf32, #tpu.memory_space<vmem>>
    %dma_start3A_150 = arith.constant 64 : i32
    %dma_start3A_151 = tpu.memref_slice %arg7[%dma_start3A_146, %dma_start3A_150] : memref<40x128xi32, #tpu.memory_space<vmem>> -> memref<1x32xi32, #tpu.memory_space<vmem>>
    %dma_start3A_152 = tpu.memref_squeeze %dma_start3A_151 : memref<1x32xi32, #tpu.memory_space<vmem>> -> memref<32xi32, #tpu.memory_space<vmem>>
    %dma_start3A_153 = arith.constant 0 : i32
    %dma_start3A_154 = arith.constant 0 : i32
    %dma_start3A_155 = tpu.memref_slice %arg2[%dma_start3A_153, %dma_start3A_154] : memref<10000x128xf32, #tpu.memory_space<hbm>> -> memref<10000x128xf32, #tpu.memory_space<hbm>>
    tpu.enqueue_indirect_dma source(%dma_start3A_155 : memref<10000x128xf32, #tpu.memory_space<hbm>>) target(%dma_start3A_149 : memref<32x128xf32, #tpu.memory_space<vmem>>) offsets(%dma_start3A_152 : memref<32xi32, #tpu.memory_space<vmem>>) semaphore(%arg18 : memref<!tpu.dma_semaphore, #tpu.memory_space<semaphore_mem>>)
    %dma_start3A_156 = arith.constant 1 : i32
    %dma_start3A_157 = arith.constant 96 : i32
    %dma_start3A_158 = arith.constant 0 : i32
    %dma_start3A_159 = tpu.memref_slice %arg10[%dma_start3A_157, %dma_start3A_158] : memref<128x128xf32, #tpu.memory_space<vmem>> -> memref<32x128xf32, #tpu.memory_space<vmem>>
    %dma_start3A_160 = arith.constant 96 : i32
    %dma_start3A_161 = tpu.memref_slice %arg7[%dma_start3A_156, %dma_start3A_160] : memref<40x128xi32, #tpu.memory_space<vmem>> -> memref<1x32xi32, #tpu.memory_space<vmem>>
    %dma_start3A_162 = tpu.memref_squeeze %dma_start3A_161 : memref<1x32xi32, #tpu.memory_space<vmem>> -> memref<32xi32, #tpu.memory_space<vmem>>
    %dma_start3A_163 = arith.constant 0 : i32
    %dma_start3A_164 = arith.constant 0 : i32
    %dma_start3A_165 = tpu.memref_slice %arg2[%dma_start3A_163, %dma_start3A_164] : memref<10000x128xf32, #tpu.memory_space<hbm>> -> memref<10000x128xf32, #tpu.memory_space<hbm>>
    tpu.enqueue_indirect_dma source(%dma_start3A_165 : memref<10000x128xf32, #tpu.memory_space<hbm>>) target(%dma_start3A_159 : memref<32x128xf32, #tpu.memory_space<vmem>>) offsets(%dma_start3A_162 : memref<32xi32, #tpu.memory_space<vmem>>) semaphore(%arg19 : memref<!tpu.dma_semaphore, #tpu.memory_space<semaphore_mem>>)
    %scan3A_166 = arith.constant 0 : i32
    %scan3A_167 = arith.constant 20 : i32
    %scan3A_168 = arith.addi %scan3A_166, %scan3A_167 : i32
    %scan3A_169 = arith.constant 1 : i32
    scf.for %scan3A_176 = %scan3A_166 to %scan3A_168 step %scan3A_169  : i32 {
      %mul3A_177 = arith.constant 2 : i32
      %mul3A_178 = arith.muli %scan3A_176, %mul3A_177 : i32
      %add3A_179 = arith.constant 0 : i32
      %add3A_180 = arith.addi %add3A_179, %mul3A_178 : i32
      %add3A_181 = arith.constant 0 : i32
      %add3A_182 = arith.addi %add3A_180, %add3A_181 : i32
      %dma_wait3A = arith.constant 0 : i32
      %dma_wait3A_183 = arith.constant 0 : i32
      %dma_wait3A_184 = tpu.memref_slice %arg9[%dma_wait3A, %dma_wait3A_183] : memref<128x128xf32, #tpu.memory_space<vmem>> -> memref<32x128xf32, #tpu.memory_space<vmem>>
      %dma_wait3A_185 = arith.constant 0 : i32
      %dma_wait3A_186 = tpu.memref_slice %arg7[%add3A_182, %dma_wait3A_185] : memref<40x128xi32, #tpu.memory_space<vmem>> -> memref<1x32xi32, #tpu.memory_space<vmem>>
      %dma_wait3A_187 = tpu.memref_squeeze %dma_wait3A_186 : memref<1x32xi32, #tpu.memory_space<vmem>> -> memref<32xi32, #tpu.memory_space<vmem>>
      %dma_wait3A_188 = arith.constant 0 : i32
      %dma_wait3A_189 = arith.constant 0 : i32
      %dma_wait3A_190 = tpu.memref_slice %arg2[%dma_wait3A_188, %dma_wait3A_189] : memref<10000x128xf32, #tpu.memory_space<hbm>> -> memref<10000x128xf32, #tpu.memory_space<hbm>>
      tpu.wait_indirect_dma semaphore(%arg12 : memref<!tpu.dma_semaphore, #tpu.memory_space<semaphore_mem>>) src(%dma_wait3A_190 : memref<10000x128xf32, #tpu.memory_space<hbm>>) dst(%dma_wait3A_184 : memref<32x128xf32, #tpu.memory_space<vmem>>)
      %dma_wait3A_191 = arith.constant 32 : i32
      %dma_wait3A_192 = arith.constant 0 : i32
      %dma_wait3A_193 = tpu.memref_slice %arg9[%dma_wait3A_191, %dma_wait3A_192] : memref<128x128xf32, #tpu.memory_space<vmem>> -> memref<32x128xf32, #tpu.memory_space<vmem>>
      %dma_wait3A_194 = arith.constant 32 : i32
      %dma_wait3A_195 = tpu.memref_slice %arg7[%add3A_182, %dma_wait3A_194] : memref<40x128xi32, #tpu.memory_space<vmem>> -> memref<1x32xi32, #tpu.memory_space<vmem>>
      %dma_wait3A_196 = tpu.memref_squeeze %dma_wait3A_195 : memref<1x32xi32, #tpu.memory_space<vmem>> -> memref<32xi32, #tpu.memory_space<vmem>>
      %dma_wait3A_197 = arith.constant 0 : i32
      %dma_wait3A_198 = arith.constant 0 : i32
      %dma_wait3A_199 = tpu.memref_slice %arg2[%dma_wait3A_197, %dma_wait3A_198] : memref<10000x128xf32, #tpu.memory_space<hbm>> -> memref<10000x128xf32, #tpu.memory_space<hbm>>
      tpu.wait_indirect_dma semaphore(%arg13 : memref<!tpu.dma_semaphore, #tpu.memory_space<semaphore_mem>>) src(%dma_wait3A_199 : memref<10000x128xf32, #tpu.memory_space<hbm>>) dst(%dma_wait3A_193 : memref<32x128xf32, #tpu.memory_space<vmem>>)
      %dma_wait3A_200 = arith.constant 64 : i32
      %dma_wait3A_201 = arith.constant 0 : i32
      %dma_wait3A_202 = tpu.memref_slice %arg9[%dma_wait3A_200, %dma_wait3A_201] : memref<128x128xf32, #tpu.memory_space<vmem>> -> memref<32x128xf32, #tpu.memory_space<vmem>>
      %dma_wait3A_203 = arith.constant 64 : i32
      %dma_wait3A_204 = tpu.memref_slice %arg7[%add3A_182, %dma_wait3A_203] : memref<40x128xi32, #tpu.memory_space<vmem>> -> memref<1x32xi32, #tpu.memory_space<vmem>>
      %dma_wait3A_205 = tpu.memref_squeeze %dma_wait3A_204 : memref<1x32xi32, #tpu.memory_space<vmem>> -> memref<32xi32, #tpu.memory_space<vmem>>
      %dma_wait3A_206 = arith.constant 0 : i32
      %dma_wait3A_207 = arith.constant 0 : i32
      %dma_wait3A_208 = tpu.memref_slice %arg2[%dma_wait3A_206, %dma_wait3A_207] : memref<10000x128xf32, #tpu.memory_space<hbm>> -> memref<10000x128xf32, #tpu.memory_space<hbm>>
      tpu.wait_indirect_dma semaphore(%arg14 : memref<!tpu.dma_semaphore, #tpu.memory_space<semaphore_mem>>) src(%dma_wait3A_208 : memref<10000x128xf32, #tpu.memory_space<hbm>>) dst(%dma_wait3A_202 : memref<32x128xf32, #tpu.memory_space<vmem>>)
      %dma_wait3A_209 = arith.constant 96 : i32
      %dma_wait3A_210 = arith.constant 0 : i32
      %dma_wait3A_211 = tpu.memref_slice %arg9[%dma_wait3A_209, %dma_wait3A_210] : memref<128x128xf32, #tpu.memory_space<vmem>> -> memref<32x128xf32, #tpu.memory_space<vmem>>
      %dma_wait3A_212 = arith.constant 96 : i32
      %dma_wait3A_213 = tpu.memref_slice %arg7[%add3A_182, %dma_wait3A_212] : memref<40x128xi32, #tpu.memory_space<vmem>> -> memref<1x32xi32, #tpu.memory_space<vmem>>
      %dma_wait3A_214 = tpu.memref_squeeze %dma_wait3A_213 : memref<1x32xi32, #tpu.memory_space<vmem>> -> memref<32xi32, #tpu.memory_space<vmem>>
      %dma_wait3A_215 = arith.constant 0 : i32
      %dma_wait3A_216 = arith.constant 0 : i32
      %dma_wait3A_217 = tpu.memref_slice %arg2[%dma_wait3A_215, %dma_wait3A_216] : memref<10000x128xf32, #tpu.memory_space<hbm>> -> memref<10000x128xf32, #tpu.memory_space<hbm>>
      tpu.wait_indirect_dma semaphore(%arg15 : memref<!tpu.dma_semaphore, #tpu.memory_space<semaphore_mem>>) src(%dma_wait3A_217 : memref<10000x128xf32, #tpu.memory_space<hbm>>) dst(%dma_wait3A_211 : memref<32x128xf32, #tpu.memory_space<vmem>>)
      "tpu.region"() ({
        %run_scoped3A = tpu.sem_alloc : memref<!tpu.dma_semaphore, #tpu.memory_space<semaphore_mem>>
        %dma_start3A_267 = arith.constant 0 : i32
        %dma_start3A_268 = tpu.memref_slice %arg8[%add3A_182, %dma_start3A_267] : memref<40x128xi32, #tpu.memory_space<vmem>> -> memref<1x128xi32, #tpu.memory_space<vmem>>
        %dma_start3A_269 = tpu.memref_squeeze %dma_start3A_268 : memref<1x128xi32, #tpu.memory_space<vmem>> -> memref<128xi32, #tpu.memory_space<vmem>>
        %dma_start3A_270 = arith.constant 0 : i32
        %dma_start3A_271 = arith.constant 0 : i32
        %dma_start3A_272 = tpu.memref_slice %arg11[%dma_start3A_270, %dma_start3A_271] : memref<10112x128xf32, #tpu.memory_space<vmem_shared>> -> memref<10112x128xf32, #tpu.memory_space<vmem_shared>>
        tpu.enqueue_indirect_dma source(%arg9 : memref<128x128xf32, #tpu.memory_space<vmem>>) target(%dma_start3A_272 : memref<10112x128xf32, #tpu.memory_space<vmem_shared>>) offsets(%dma_start3A_269 : memref<128xi32, #tpu.memory_space<vmem>>) semaphore(%run_scoped3A : memref<!tpu.dma_semaphore, #tpu.memory_space<semaphore_mem>>) {add = true}
        %dma_wait3A_273 = arith.constant 0 : i32
        %dma_wait3A_274 = tpu.memref_slice %arg8[%add3A_182, %dma_wait3A_273] : memref<40x128xi32, #tpu.memory_space<vmem>> -> memref<1x128xi32, #tpu.memory_space<vmem>>
        %dma_wait3A_275 = tpu.memref_squeeze %dma_wait3A_274 : memref<1x128xi32, #tpu.memory_space<vmem>> -> memref<128xi32, #tpu.memory_space<vmem>>
        %dma_wait3A_276 = arith.constant 0 : i32
        %dma_wait3A_277 = arith.constant 0 : i32
        %dma_wait3A_278 = tpu.memref_slice %arg11[%dma_wait3A_276, %dma_wait3A_277] : memref<10112x128xf32, #tpu.memory_space<vmem_shared>> -> memref<10112x128xf32, #tpu.memory_space<vmem_shared>>
        tpu.wait_indirect_dma semaphore(%run_scoped3A : memref<!tpu.dma_semaphore, #tpu.memory_space<semaphore_mem>>) src(%arg9 : memref<128x128xf32, #tpu.memory_space<vmem>>) dst(%dma_wait3A_278 : memref<10112x128xf32, #tpu.memory_space<vmem_shared>>)
        tpu.yield
      }) : () -> ()
      %add3A_218 = arith.constant 2 : i32
      %add3A_219 = arith.addi %add3A_182, %add3A_218 : i32
      %lt3A = arith.constant 40 : i32
      %lt3A_220 = arith.cmpi slt, %add3A_219, %lt3A : i32
      %convert_element_type3A = arith.extui %lt3A_220 : i1 to i32
      %cond3A = arith.constant 0 : i32
      %cond3A_221 = arith.cmpi ne, %convert_element_type3A, %cond3A : i32
      scf.if %cond3A_221 {
        %dma_start3A_267 = arith.constant 0 : i32
        %dma_start3A_268 = arith.constant 0 : i32
        %dma_start3A_269 = tpu.memref_slice %arg9[%dma_start3A_267, %dma_start3A_268] : memref<128x128xf32, #tpu.memory_space<vmem>> -> memref<32x128xf32, #tpu.memory_space<vmem>>
        %dma_start3A_270 = arith.constant 0 : i32
        %dma_start3A_271 = tpu.memref_slice %arg7[%add3A_219, %dma_start3A_270] : memref<40x128xi32, #tpu.memory_space<vmem>> -> memref<1x32xi32, #tpu.memory_space<vmem>>
        %dma_start3A_272 = tpu.memref_squeeze %dma_start3A_271 : memref<1x32xi32, #tpu.memory_space<vmem>> -> memref<32xi32, #tpu.memory_space<vmem>>
        %dma_start3A_273 = arith.constant 0 : i32
        %dma_start3A_274 = arith.constant 0 : i32
        %dma_start3A_275 = tpu.memref_slice %arg2[%dma_start3A_273, %dma_start3A_274] : memref<10000x128xf32, #tpu.memory_space<hbm>> -> memref<10000x128xf32, #tpu.memory_space<hbm>>
        tpu.enqueue_indirect_dma source(%dma_start3A_275 : memref<10000x128xf32, #tpu.memory_space<hbm>>) target(%dma_start3A_269 : memref<32x128xf32, #tpu.memory_space<vmem>>) offsets(%dma_start3A_272 : memref<32xi32, #tpu.memory_space<vmem>>) semaphore(%arg12 : memref<!tpu.dma_semaphore, #tpu.memory_space<semaphore_mem>>)
        %dma_start3A_276 = arith.constant 32 : i32
        %dma_start3A_277 = arith.constant 0 : i32
        %dma_start3A_278 = tpu.memref_slice %arg9[%dma_start3A_276, %dma_start3A_277] : memref<128x128xf32, #tpu.memory_space<vmem>> -> memref<32x128xf32, #tpu.memory_space<vmem>>
        %dma_start3A_279 = arith.constant 32 : i32
        %dma_start3A_280 = tpu.memref_slice %arg7[%add3A_219, %dma_start3A_279] : memref<40x128xi32, #tpu.memory_space<vmem>> -> memref<1x32xi32, #tpu.memory_space<vmem>>
        %dma_start3A_281 = tpu.memref_squeeze %dma_start3A_280 : memref<1x32xi32, #tpu.memory_space<vmem>> -> memref<32xi32, #tpu.memory_space<vmem>>
        %dma_start3A_282 = arith.constant 0 : i32
        %dma_start3A_283 = arith.constant 0 : i32
        %dma_start3A_284 = tpu.memref_slice %arg2[%dma_start3A_282, %dma_start3A_283] : memref<10000x128xf32, #tpu.memory_space<hbm>> -> memref<10000x128xf32, #tpu.memory_space<hbm>>
        tpu.enqueue_indirect_dma source(%dma_start3A_284 : memref<10000x128xf32, #tpu.memory_space<hbm>>) target(%dma_start3A_278 : memref<32x128xf32, #tpu.memory_space<vmem>>) offsets(%dma_start3A_281 : memref<32xi32, #tpu.memory_space<vmem>>) semaphore(%arg13 : memref<!tpu.dma_semaphore, #tpu.memory_space<semaphore_mem>>)
        %dma_start3A_285 = arith.constant 64 : i32
        %dma_start3A_286 = arith.constant 0 : i32
        %dma_start3A_287 = tpu.memref_slice %arg9[%dma_start3A_285, %dma_start3A_286] : memref<128x128xf32, #tpu.memory_space<vmem>> -> memref<32x128xf32, #tpu.memory_space<vmem>>
        %dma_start3A_288 = arith.constant 64 : i32
        %dma_start3A_289 = tpu.memref_slice %arg7[%add3A_219, %dma_start3A_288] : memref<40x128xi32, #tpu.memory_space<vmem>> -> memref<1x32xi32, #tpu.memory_space<vmem>>
        %dma_start3A_290 = tpu.memref_squeeze %dma_start3A_289 : memref<1x32xi32, #tpu.memory_space<vmem>> -> memref<32xi32, #tpu.memory_space<vmem>>
        %dma_start3A_291 = arith.constant 0 : i32
        %dma_start3A_292 = arith.constant 0 : i32
        %dma_start3A_293 = tpu.memref_slice %arg2[%dma_start3A_291, %dma_start3A_292] : memref<10000x128xf32, #tpu.memory_space<hbm>> -> memref<10000x128xf32, #tpu.memory_space<hbm>>
        tpu.enqueue_indirect_dma source(%dma_start3A_293 : memref<10000x128xf32, #tpu.memory_space<hbm>>) target(%dma_start3A_287 : memref<32x128xf32, #tpu.memory_space<vmem>>) offsets(%dma_start3A_290 : memref<32xi32, #tpu.memory_space<vmem>>) semaphore(%arg14 : memref<!tpu.dma_semaphore, #tpu.memory_space<semaphore_mem>>)
        %dma_start3A_294 = arith.constant 96 : i32
        %dma_start3A_295 = arith.constant 0 : i32
        %dma_start3A_296 = tpu.memref_slice %arg9[%dma_start3A_294, %dma_start3A_295] : memref<128x128xf32, #tpu.memory_space<vmem>> -> memref<32x128xf32, #tpu.memory_space<vmem>>
        %dma_start3A_297 = arith.constant 96 : i32
        %dma_start3A_298 = tpu.memref_slice %arg7[%add3A_219, %dma_start3A_297] : memref<40x128xi32, #tpu.memory_space<vmem>> -> memref<1x32xi32, #tpu.memory_space<vmem>>
        %dma_start3A_299 = tpu.memref_squeeze %dma_start3A_298 : memref<1x32xi32, #tpu.memory_space<vmem>> -> memref<32xi32, #tpu.memory_space<vmem>>
        %dma_start3A_300 = arith.constant 0 : i32
        %dma_start3A_301 = arith.constant 0 : i32
        %dma_start3A_302 = tpu.memref_slice %arg2[%dma_start3A_300, %dma_start3A_301] : memref<10000x128xf32, #tpu.memory_space<hbm>> -> memref<10000x128xf32, #tpu.memory_space<hbm>>
        tpu.enqueue_indirect_dma source(%dma_start3A_302 : memref<10000x128xf32, #tpu.memory_space<hbm>>) target(%dma_start3A_296 : memref<32x128xf32, #tpu.memory_space<vmem>>) offsets(%dma_start3A_299 : memref<32xi32, #tpu.memory_space<vmem>>) semaphore(%arg15 : memref<!tpu.dma_semaphore, #tpu.memory_space<semaphore_mem>>)
      } else {
      }
      %add3A_222 = arith.constant 1 : i32
      %add3A_223 = arith.addi %add3A_180, %add3A_222 : i32
      %dma_wait3A_224 = arith.constant 0 : i32
      %dma_wait3A_225 = arith.constant 0 : i32
      %dma_wait3A_226 = tpu.memref_slice %arg10[%dma_wait3A_224, %dma_wait3A_225] : memref<128x128xf32, #tpu.memory_space<vmem>> -> memref<32x128xf32, #tpu.memory_space<vmem>>
      %dma_wait3A_227 = arith.constant 0 : i32
      %dma_wait3A_228 = tpu.memref_slice %arg7[%add3A_223, %dma_wait3A_227] : memref<40x128xi32, #tpu.memory_space<vmem>> -> memref<1x32xi32, #tpu.memory_space<vmem>>
      %dma_wait3A_229 = tpu.memref_squeeze %dma_wait3A_228 : memref<1x32xi32, #tpu.memory_space<vmem>> -> memref<32xi32, #tpu.memory_space<vmem>>
      %dma_wait3A_230 = arith.constant 0 : i32
      %dma_wait3A_231 = arith.constant 0 : i32
      %dma_wait3A_232 = tpu.memref_slice %arg2[%dma_wait3A_230, %dma_wait3A_231] : memref<10000x128xf32, #tpu.memory_space<hbm>> -> memref<10000x128xf32, #tpu.memory_space<hbm>>
      tpu.wait_indirect_dma semaphore(%arg16 : memref<!tpu.dma_semaphore, #tpu.memory_space<semaphore_mem>>) src(%dma_wait3A_232 : memref<10000x128xf32, #tpu.memory_space<hbm>>) dst(%dma_wait3A_226 : memref<32x128xf32, #tpu.memory_space<vmem>>)
      %dma_wait3A_233 = arith.constant 32 : i32
      %dma_wait3A_234 = arith.constant 0 : i32
      %dma_wait3A_235 = tpu.memref_slice %arg10[%dma_wait3A_233, %dma_wait3A_234] : memref<128x128xf32, #tpu.memory_space<vmem>> -> memref<32x128xf32, #tpu.memory_space<vmem>>
      %dma_wait3A_236 = arith.constant 32 : i32
      %dma_wait3A_237 = tpu.memref_slice %arg7[%add3A_223, %dma_wait3A_236] : memref<40x128xi32, #tpu.memory_space<vmem>> -> memref<1x32xi32, #tpu.memory_space<vmem>>
      %dma_wait3A_238 = tpu.memref_squeeze %dma_wait3A_237 : memref<1x32xi32, #tpu.memory_space<vmem>> -> memref<32xi32, #tpu.memory_space<vmem>>
      %dma_wait3A_239 = arith.constant 0 : i32
      %dma_wait3A_240 = arith.constant 0 : i32
      %dma_wait3A_241 = tpu.memref_slice %arg2[%dma_wait3A_239, %dma_wait3A_240] : memref<10000x128xf32, #tpu.memory_space<hbm>> -> memref<10000x128xf32, #tpu.memory_space<hbm>>
      tpu.wait_indirect_dma semaphore(%arg17 : memref<!tpu.dma_semaphore, #tpu.memory_space<semaphore_mem>>) src(%dma_wait3A_241 : memref<10000x128xf32, #tpu.memory_space<hbm>>) dst(%dma_wait3A_235 : memref<32x128xf32, #tpu.memory_space<vmem>>)
      %dma_wait3A_242 = arith.constant 64 : i32
      %dma_wait3A_243 = arith.constant 0 : i32
      %dma_wait3A_244 = tpu.memref_slice %arg10[%dma_wait3A_242, %dma_wait3A_243] : memref<128x128xf32, #tpu.memory_space<vmem>> -> memref<32x128xf32, #tpu.memory_space<vmem>>
      %dma_wait3A_245 = arith.constant 64 : i32
      %dma_wait3A_246 = tpu.memref_slice %arg7[%add3A_223, %dma_wait3A_245] : memref<40x128xi32, #tpu.memory_space<vmem>> -> memref<1x32xi32, #tpu.memory_space<vmem>>
      %dma_wait3A_247 = tpu.memref_squeeze %dma_wait3A_246 : memref<1x32xi32, #tpu.memory_space<vmem>> -> memref<32xi32, #tpu.memory_space<vmem>>
      %dma_wait3A_248 = arith.constant 0 : i32
      %dma_wait3A_249 = arith.constant 0 : i32
      %dma_wait3A_250 = tpu.memref_slice %arg2[%dma_wait3A_248, %dma_wait3A_249] : memref<10000x128xf32, #tpu.memory_space<hbm>> -> memref<10000x128xf32, #tpu.memory_space<hbm>>
      tpu.wait_indirect_dma semaphore(%arg18 : memref<!tpu.dma_semaphore, #tpu.memory_space<semaphore_mem>>) src(%dma_wait3A_250 : memref<10000x128xf32, #tpu.memory_space<hbm>>) dst(%dma_wait3A_244 : memref<32x128xf32, #tpu.memory_space<vmem>>)
      %dma_wait3A_251 = arith.constant 96 : i32
      %dma_wait3A_252 = arith.constant 0 : i32
      %dma_wait3A_253 = tpu.memref_slice %arg10[%dma_wait3A_251, %dma_wait3A_252] : memref<128x128xf32, #tpu.memory_space<vmem>> -> memref<32x128xf32, #tpu.memory_space<vmem>>
      %dma_wait3A_254 = arith.constant 96 : i32
      %dma_wait3A_255 = tpu.memref_slice %arg7[%add3A_223, %dma_wait3A_254] : memref<40x128xi32, #tpu.memory_space<vmem>> -> memref<1x32xi32, #tpu.memory_space<vmem>>
      %dma_wait3A_256 = tpu.memref_squeeze %dma_wait3A_255 : memref<1x32xi32, #tpu.memory_space<vmem>> -> memref<32xi32, #tpu.memory_space<vmem>>
      %dma_wait3A_257 = arith.constant 0 : i32
      %dma_wait3A_258 = arith.constant 0 : i32
      %dma_wait3A_259 = tpu.memref_slice %arg2[%dma_wait3A_257, %dma_wait3A_258] : memref<10000x128xf32, #tpu.memory_space<hbm>> -> memref<10000x128xf32, #tpu.memory_space<hbm>>
      tpu.wait_indirect_dma semaphore(%arg19 : memref<!tpu.dma_semaphore, #tpu.memory_space<semaphore_mem>>) src(%dma_wait3A_259 : memref<10000x128xf32, #tpu.memory_space<hbm>>) dst(%dma_wait3A_253 : memref<32x128xf32, #tpu.memory_space<vmem>>)
      "tpu.region"() ({
        %run_scoped3A = tpu.sem_alloc : memref<!tpu.dma_semaphore, #tpu.memory_space<semaphore_mem>>
        %dma_start3A_267 = arith.constant 0 : i32
        %dma_start3A_268 = tpu.memref_slice %arg8[%add3A_223, %dma_start3A_267] : memref<40x128xi32, #tpu.memory_space<vmem>> -> memref<1x128xi32, #tpu.memory_space<vmem>>
        %dma_start3A_269 = tpu.memref_squeeze %dma_start3A_268 : memref<1x128xi32, #tpu.memory_space<vmem>> -> memref<128xi32, #tpu.memory_space<vmem>>
        %dma_start3A_270 = arith.constant 0 : i32
        %dma_start3A_271 = arith.constant 0 : i32
        %dma_start3A_272 = tpu.memref_slice %arg11[%dma_start3A_270, %dma_start3A_271] : memref<10112x128xf32, #tpu.memory_space<vmem_shared>> -> memref<10112x128xf32, #tpu.memory_space<vmem_shared>>
        tpu.enqueue_indirect_dma source(%arg10 : memref<128x128xf32, #tpu.memory_space<vmem>>) target(%dma_start3A_272 : memref<10112x128xf32, #tpu.memory_space<vmem_shared>>) offsets(%dma_start3A_269 : memref<128xi32, #tpu.memory_space<vmem>>) semaphore(%run_scoped3A : memref<!tpu.dma_semaphore, #tpu.memory_space<semaphore_mem>>) {add = true}
        %dma_wait3A_273 = arith.constant 0 : i32
        %dma_wait3A_274 = tpu.memref_slice %arg8[%add3A_223, %dma_wait3A_273] : memref<40x128xi32, #tpu.memory_space<vmem>> -> memref<1x128xi32, #tpu.memory_space<vmem>>
        %dma_wait3A_275 = tpu.memref_squeeze %dma_wait3A_274 : memref<1x128xi32, #tpu.memory_space<vmem>> -> memref<128xi32, #tpu.memory_space<vmem>>
        %dma_wait3A_276 = arith.constant 0 : i32
        %dma_wait3A_277 = arith.constant 0 : i32
        %dma_wait3A_278 = tpu.memref_slice %arg11[%dma_wait3A_276, %dma_wait3A_277] : memref<10112x128xf32, #tpu.memory_space<vmem_shared>> -> memref<10112x128xf32, #tpu.memory_space<vmem_shared>>
        tpu.wait_indirect_dma semaphore(%run_scoped3A : memref<!tpu.dma_semaphore, #tpu.memory_space<semaphore_mem>>) src(%arg10 : memref<128x128xf32, #tpu.memory_space<vmem>>) dst(%dma_wait3A_278 : memref<10112x128xf32, #tpu.memory_space<vmem_shared>>)
        tpu.yield
      }) : () -> ()
      %add3A_260 = arith.constant 2 : i32
      %add3A_261 = arith.addi %add3A_223, %add3A_260 : i32
      %lt3A_262 = arith.constant 40 : i32
      %lt3A_263 = arith.cmpi slt, %add3A_261, %lt3A_262 : i32
      %convert_element_type3A_264 = arith.extui %lt3A_263 : i1 to i32
      %cond3A_265 = arith.constant 0 : i32
      %cond3A_266 = arith.cmpi ne, %convert_element_type3A_264, %cond3A_265 : i32
      scf.if %cond3A_266 {
        %dma_start3A_267 = arith.constant 0 : i32
        %dma_start3A_268 = arith.constant 0 : i32
        %dma_start3A_269 = tpu.memref_slice %arg10[%dma_start3A_267, %dma_start3A_268] : memref<128x128xf32, #tpu.memory_space<vmem>> -> memref<32x128xf32, #tpu.memory_space<vmem>>
        %dma_start3A_270 = arith.constant 0 : i32
        %dma_start3A_271 = tpu.memref_slice %arg7[%add3A_261, %dma_start3A_270] : memref<40x128xi32, #tpu.memory_space<vmem>> -> memref<1x32xi32, #tpu.memory_space<vmem>>
        %dma_start3A_272 = tpu.memref_squeeze %dma_start3A_271 : memref<1x32xi32, #tpu.memory_space<vmem>> -> memref<32xi32, #tpu.memory_space<vmem>>
        %dma_start3A_273 = arith.constant 0 : i32
        %dma_start3A_274 = arith.constant 0 : i32
        %dma_start3A_275 = tpu.memref_slice %arg2[%dma_start3A_273, %dma_start3A_274] : memref<10000x128xf32, #tpu.memory_space<hbm>> -> memref<10000x128xf32, #tpu.memory_space<hbm>>
        tpu.enqueue_indirect_dma source(%dma_start3A_275 : memref<10000x128xf32, #tpu.memory_space<hbm>>) target(%dma_start3A_269 : memref<32x128xf32, #tpu.memory_space<vmem>>) offsets(%dma_start3A_272 : memref<32xi32, #tpu.memory_space<vmem>>) semaphore(%arg16 : memref<!tpu.dma_semaphore, #tpu.memory_space<semaphore_mem>>)
        %dma_start3A_276 = arith.constant 32 : i32
        %dma_start3A_277 = arith.constant 0 : i32
        %dma_start3A_278 = tpu.memref_slice %arg10[%dma_start3A_276, %dma_start3A_277] : memref<128x128xf32, #tpu.memory_space<vmem>> -> memref<32x128xf32, #tpu.memory_space<vmem>>
        %dma_start3A_279 = arith.constant 32 : i32
        %dma_start3A_280 = tpu.memref_slice %arg7[%add3A_261, %dma_start3A_279] : memref<40x128xi32, #tpu.memory_space<vmem>> -> memref<1x32xi32, #tpu.memory_space<vmem>>
        %dma_start3A_281 = tpu.memref_squeeze %dma_start3A_280 : memref<1x32xi32, #tpu.memory_space<vmem>> -> memref<32xi32, #tpu.memory_space<vmem>>
        %dma_start3A_282 = arith.constant 0 : i32
        %dma_start3A_283 = arith.constant 0 : i32
        %dma_start3A_284 = tpu.memref_slice %arg2[%dma_start3A_282, %dma_start3A_283] : memref<10000x128xf32, #tpu.memory_space<hbm>> -> memref<10000x128xf32, #tpu.memory_space<hbm>>
        tpu.enqueue_indirect_dma source(%dma_start3A_284 : memref<10000x128xf32, #tpu.memory_space<hbm>>) target(%dma_start3A_278 : memref<32x128xf32, #tpu.memory_space<vmem>>) offsets(%dma_start3A_281 : memref<32xi32, #tpu.memory_space<vmem>>) semaphore(%arg17 : memref<!tpu.dma_semaphore, #tpu.memory_space<semaphore_mem>>)
        %dma_start3A_285 = arith.constant 64 : i32
        %dma_start3A_286 = arith.constant 0 : i32
        %dma_start3A_287 = tpu.memref_slice %arg10[%dma_start3A_285, %dma_start3A_286] : memref<128x128xf32, #tpu.memory_space<vmem>> -> memref<32x128xf32, #tpu.memory_space<vmem>>
        %dma_start3A_288 = arith.constant 64 : i32
        %dma_start3A_289 = tpu.memref_slice %arg7[%add3A_261, %dma_start3A_288] : memref<40x128xi32, #tpu.memory_space<vmem>> -> memref<1x32xi32, #tpu.memory_space<vmem>>
        %dma_start3A_290 = tpu.memref_squeeze %dma_start3A_289 : memref<1x32xi32, #tpu.memory_space<vmem>> -> memref<32xi32, #tpu.memory_space<vmem>>
        %dma_start3A_291 = arith.constant 0 : i32
        %dma_start3A_292 = arith.constant 0 : i32
        %dma_start3A_293 = tpu.memref_slice %arg2[%dma_start3A_291, %dma_start3A_292] : memref<10000x128xf32, #tpu.memory_space<hbm>> -> memref<10000x128xf32, #tpu.memory_space<hbm>>
        tpu.enqueue_indirect_dma source(%dma_start3A_293 : memref<10000x128xf32, #tpu.memory_space<hbm>>) target(%dma_start3A_287 : memref<32x128xf32, #tpu.memory_space<vmem>>) offsets(%dma_start3A_290 : memref<32xi32, #tpu.memory_space<vmem>>) semaphore(%arg18 : memref<!tpu.dma_semaphore, #tpu.memory_space<semaphore_mem>>)
        %dma_start3A_294 = arith.constant 96 : i32
        %dma_start3A_295 = arith.constant 0 : i32
        %dma_start3A_296 = tpu.memref_slice %arg10[%dma_start3A_294, %dma_start3A_295] : memref<128x128xf32, #tpu.memory_space<vmem>> -> memref<32x128xf32, #tpu.memory_space<vmem>>
        %dma_start3A_297 = arith.constant 96 : i32
        %dma_start3A_298 = tpu.memref_slice %arg7[%add3A_261, %dma_start3A_297] : memref<40x128xi32, #tpu.memory_space<vmem>> -> memref<1x32xi32, #tpu.memory_space<vmem>>
        %dma_start3A_299 = tpu.memref_squeeze %dma_start3A_298 : memref<1x32xi32, #tpu.memory_space<vmem>> -> memref<32xi32, #tpu.memory_space<vmem>>
        %dma_start3A_300 = arith.constant 0 : i32
        %dma_start3A_301 = arith.constant 0 : i32
        %dma_start3A_302 = tpu.memref_slice %arg2[%dma_start3A_300, %dma_start3A_301] : memref<10000x128xf32, #tpu.memory_space<hbm>> -> memref<10000x128xf32, #tpu.memory_space<hbm>>
        tpu.enqueue_indirect_dma source(%dma_start3A_302 : memref<10000x128xf32, #tpu.memory_space<hbm>>) target(%dma_start3A_296 : memref<32x128xf32, #tpu.memory_space<vmem>>) offsets(%dma_start3A_299 : memref<32xi32, #tpu.memory_space<vmem>>) semaphore(%arg19 : memref<!tpu.dma_semaphore, #tpu.memory_space<semaphore_mem>>)
      } else {
      }
    }
    %scan3A_170 = arith.constant 20 : i32
    %barrier3A_171 = arith.constant 0 : index
    tpu.barrier barrier_id(%barrier3A_171)
    %mul3A_172 = arith.constant 632 : i32
    %mul3A_173 = arith.muli %arg1, %mul3A_172 : i32
    %mul3A_174 = arith.constant 632 : i32
    %mul3A_175 = arith.muli %arg1, %mul3A_174 : i32
    "tpu.region"() ({
      %run_scoped3A = tpu.sem_alloc : memref<!tpu.dma_semaphore, #tpu.memory_space<semaphore_mem>>
      %dma_start3A_176 = arith.constant 0 : i32
      %dma_start3A_177 = tpu.memref_slice %arg6[%arg0, %mul3A_175, %dma_start3A_176] : memref<2x10112x128xf32, #tpu.memory_space<hbm>> -> memref<1x632x128xf32, #tpu.memory_space<hbm>>
      %dma_start3A_178 = tpu.memref_squeeze %dma_start3A_177 : memref<1x632x128xf32, #tpu.memory_space<hbm>> -> memref<632x128xf32, #tpu.memory_space<hbm>>
      %dma_start3A_179 = arith.constant 0 : i32
      %dma_start3A_180 = tpu.memref_slice %arg11[%mul3A_173, %dma_start3A_179] : memref<10112x128xf32, #tpu.memory_space<vmem_shared>> -> memref<632x128xf32, #tpu.memory_space<vmem_shared>>
      tpu.enqueue_dma source(%dma_start3A_180 : memref<632x128xf32, #tpu.memory_space<vmem_shared>>) target(%dma_start3A_178 : memref<632x128xf32, #tpu.memory_space<hbm>>) target_semaphore(%run_scoped3A : memref<!tpu.dma_semaphore, #tpu.memory_space<semaphore_mem>>)
      %dma_wait3A = arith.constant 0 : i32
      %dma_wait3A_181 = tpu.memref_slice %arg6[%arg0, %mul3A_175, %dma_wait3A] : memref<2x10112x128xf32, #tpu.memory_space<hbm>> -> memref<1x632x128xf32, #tpu.memory_space<hbm>>
      %dma_wait3A_182 = tpu.memref_squeeze %dma_wait3A_181 : memref<1x632x128xf32, #tpu.memory_space<hbm>> -> memref<632x128xf32, #tpu.memory_space<hbm>>
      %dma_wait3A_183 = arith.constant 0 : i32
      %dma_wait3A_184 = tpu.memref_slice %arg11[%mul3A_173, %dma_wait3A_183] : memref<10112x128xf32, #tpu.memory_space<vmem_shared>> -> memref<632x128xf32, #tpu.memory_space<vmem_shared>>
      tpu.wait_dma2 semaphore(%run_scoped3A : memref<!tpu.dma_semaphore, #tpu.memory_space<semaphore_mem>>) src(%dma_wait3A_184 : memref<632x128xf32, #tpu.memory_space<vmem_shared>>) dst(%dma_wait3A_182 : memref<632x128xf32, #tpu.memory_space<hbm>>)
      tpu.yield
    }) : () -> ()
    return
  }
}

module attributes {stable_mosaic.version = 14 : i64} {
  func.func @_mm_body(%arg0: i32, %arg1: memref<1000x128xf32, #tpu.memory_space<vmem>>, %arg2: memref<128x128xf32, #tpu.memory_space<vmem>>, %arg3: memref<1000x128xf32, #tpu.memory_space<vmem>>) attributes {dimension_semantics = [#tpu.dimension_semantics<arbitrary>], iteration_bounds = array<i64: 10>, scalar_prefetch = 0 : i64, scratch_operands = 0 : i64, tpu.core_type = #tpu.core_type<tc>, window_params = [{transform_indices = @transform_0, window_bounds = array<i64: 1000, 128>}, {pipeline_mode = #tpu.pipeline_mode<synchronous>, transform_indices = @transform_1, window_bounds = array<i64: 128, 128>}, {transform_indices = @transform_2, window_bounds = array<i64: 1000, 128>}]} {
    %get3A = arith.constant 0 : index
    %get3A_0 = arith.constant 0 : index
    %get3A_1 = vector.load %arg1[%get3A, %get3A_0] : memref<1000x128xf32, #tpu.memory_space<vmem>>, vector<1000x128xf32>
    %get3A_2 = arith.constant 0 : index
    %get3A_3 = arith.constant 0 : index
    %get3A_4 = vector.load %arg2[%get3A_2, %get3A_3] : memref<128x128xf32, #tpu.memory_space<vmem>>, vector<128x128xf32>
    %dot_general3A = arith.constant dense<0.000000e+00> : vector<1000x128xf32>
    %dot_general3A_5 = tpu.matmul %get3A_1, %get3A_4, %dot_general3A {dimension_numbers = #tpu.dot_dimension_numbers<[1], [0], [0], [1], [0, 0, 1, 1], [], []>, transpose_lhs_hint = false} : vector<1000x128xf32>, vector<128x128xf32>, vector<1000x128xf32> -> vector<1000x128xf32>
    %swap3A = arith.constant 0 : index
    %swap3A_6 = arith.constant 0 : index
    %swap3A_7 = vector.load %arg3[%swap3A, %swap3A_6] : memref<1000x128xf32, #tpu.memory_space<vmem>>, vector<1000x128xf32>
    tpu.vector_store %arg3[%swap3A, %swap3A_6], %dot_general3A_5 {strides = array<i32>} : memref<1000x128xf32, #tpu.memory_space<vmem>>, vector<1000x128xf32>,
    return
  }
  func.func @transform_0(%arg0: i32) -> (i32, i32) {
    %c0_i32 = arith.constant 0 : i32
    %c0_i32_0 = arith.constant 0 : i32
    return %arg0, %c0_i32 : i32, i32
  }
  func.func @transform_1(%arg0: i32) -> (i32, i32) {
    %c0_i32 = arith.constant 0 : i32
    %c0_i32_0 = arith.constant 0 : i32
    %c0_i32_1 = arith.constant 0 : i32
    return %c0_i32, %c0_i32_0 : i32, i32
  }
  func.func @transform_2(%arg0: i32) -> (i32, i32) {
    %c0_i32 = arith.constant 0 : i32
    %c0_i32_0 = arith.constant 0 : i32
    return %arg0, %c0_i32 : i32, i32
  }
}

module attributes {stable_mosaic.version = 14 : i64} {
  func.func @_add_body(%arg0: i32, %arg1: memref<2x1000x128xf32, #tpu.memory_space<vmem>>, %arg2: memref<1000x128xf32, #tpu.memory_space<vmem>>) attributes {dimension_semantics = [#tpu.dimension_semantics<arbitrary>], iteration_bounds = array<i64: 10>, scalar_prefetch = 0 : i64, scratch_operands = 0 : i64, tpu.core_type = #tpu.core_type<tc>, window_params = [{transform_indices = @transform_0, window_bounds = array<i64: 2, 1000, 128>}, {transform_indices = @transform_1, window_bounds = array<i64: 1000, 128>}]} {
    %get3A = arith.constant 0 : index
    %get3A_0 = arith.constant 0 : index
    %get3A_1 = arith.constant 0 : index
    %get3A_2 = vector.load %arg1[%get3A, %get3A_0, %get3A_1] : memref<2x1000x128xf32, #tpu.memory_space<vmem>>, vector<1x1000x128xf32>
    %get3A_3 = vector.shape_cast %get3A_2 : vector<1x1000x128xf32> to vector<1000x128xf32>
    %get3A_4 = arith.constant 1 : index
    %get3A_5 = arith.constant 0 : index
    %get3A_6 = arith.constant 0 : index
    %get3A_7 = vector.load %arg1[%get3A_4, %get3A_5, %get3A_6] : memref<2x1000x128xf32, #tpu.memory_space<vmem>>, vector<1x1000x128xf32>
    %get3A_8 = vector.shape_cast %get3A_7 : vector<1x1000x128xf32> to vector<1000x128xf32>
    %add3A = arith.addf %get3A_3, %get3A_8 : vector<1000x128xf32>
    %swap3A = arith.constant 0 : index
    %swap3A_9 = arith.constant 0 : index
    %swap3A_10 = vector.load %arg2[%swap3A, %swap3A_9] : memref<1000x128xf32, #tpu.memory_space<vmem>>, vector<1000x128xf32>
    tpu.vector_store %arg2[%swap3A, %swap3A_9], %add3A {strides = array<i32>} : memref<1000x128xf32, #tpu.memory_space<vmem>>, vector<1000x128xf32>,
    return
  }
  func.func @transform_0(%arg0: i32) -> (i32, i32, i32) {
    %c0_i32 = arith.constant 0 : i32
    %c0_i32_0 = arith.constant 0 : i32
    %c0_i32_1 = arith.constant 0 : i32
    return %c0_i32, %arg0, %c0_i32_0 : i32, i32, i32
  }
  func.func @transform_1(%arg0: i32) -> (i32, i32) {
    %c0_i32 = arith.constant 0 : i32
    %c0_i32_0 = arith.constant 0 : i32
    return %arg0, %c0_i32 : i32, i32
  }
}

</mosaic_0001>

<sc_bundles>
// kernel: kernel.5.cloned.1.call-start
scs
__scs_entry_jumppad:
0x0: {  	(pc) =	sbr.rel $0x88, $3  }
0x1: {  	(tag) =	ssettag $0x0;
	lr =	simm.s32 $0x1  }
0x2: {  	[smem:$0x3F9E] =	sst lr;
	_ =	strace $0xD0000000  }
0x3: {  	_ = 	snop  }
0x4: {  	_ = 	snop  }
0x5: {  	_ = 	snop  }
0x6: {  	_ = 	snop  }
0x7: {  	_ = 	snop  }
__scs_overlays_trampoline_lowered:
0x8: {  	[smem:$0x3FAD] =	sst s0  }
0x9: {  	[smem:$0x3FAE] =	sst s1  }
0xa: {  	[smem:$0x3FAF] =	sst s2  }
0xb: {  	[smem:$0x3FB0] =	sst s3  }
0xc: {  	[smem:$0x3FB1] =	sst s4  }
0xd: {  	[smem:$0x3FB2] =	sst s5  }
0xe: {  	[smem:$0x3FB3] =	sst s6  }
0xf: {  	[smem:$0x3FB4] =	sst s7  }
0x10: {  	[smem:$0x3FB5] =	sst s8  }
0x11: {  	[smem:$0x3FB6] =	sst s9;
	s0 =	simm.s32 @!p0 $0x0  }
0x12: {  	s1 =	sld [smem:$0x3F9C];
	s0 =	simm.s32 @p0 $0x1  }
0x13: {  	[smem:$0x3FB7] =	sst s0;
	s0 =	simm.s32 @!p1 $0x0  }
0x14: {  	s2 =	sld [smem:$0x3F9B];
	s0 =	simm.s32 @p1 $0x1  }
0x15: {  	[smem:$0x3FB8] =	sst s0;
	s0 =	simm.s32 @!p2 $0x0  }
0x16: {  	s3 =	sld [smem:$0x3FDB];
	s0 =	simm.s32 @p2 $0x1  }
0x17: {  	s4 =	simm.s32 $0x1BF5;
	[smem:$0x3FBA] =	sst s0  }
0x18: {  	s0 =	sld [smem:$0x3F9D];
	_ =	swait.ge [sflag:s4], $0x0  }
0x19: {  	s7 =	sld [smem:$0x3F9E]  }
0x1a: {  	s8 =	sadd.s32 $0xFFFFE003, lr  }
0x1b: {  	s9 =	sadd.s32 $0xFFFFFEF7, lr;
	s5 =	simm.s32 $0xFFFFFFFF;
	p2 =	slt.u32 s8, $0xFFFFF086  }
0x1c: {  	p1 =	slt.u32 s9, $0xF7A;
	s5 =	simm.s32 @!p2 $0x0  }
0x1d: {  	s5 =	simm.s32 @p1 $0x1;
	p0 =	seq.s32 s7, s2  }
0x1e: {  	s7 =	smul.u32 @!p0 $0xF7A, s2;
	p2 =	seq.s32 @!p0 s5, $0x0  }
0x1f: {  	s9 =	smul.u32 $0xF7A, s1;
	s8 =	simm.s32 @!p0 $0x1BF5;
	p2 =	por !p2, p0  }
0x20: {  	[sflag:s8] =	ssyncset.s32 @!p0 $0xFFFFF086;
	s6 =	sadd.s32 @!p0 s3, s7;
	s7 =	simm.s32 @!p0 $0x108  }
0x21: {  	s3 =	sadd.s32 s3, s9;
	s6 =	sadd.s32 @!p0 $0x88, s6;
	s7 =	simm.s32 @p2 $0x1082  }
0x22: {  	[simem:s7], [sflag:s8] =	dma.local @!p0 [hbm:s6], $0xF7A  }
0x23: {  	s9 =	sor.u32 $0xD0000000, s2;
	s6 =	simm.s32 $0x108;
	_ =	swait.ge @!p0 [sflag:s8], $0x0  }
0x24: {  	s3 =	sadd.s32 $0x88, s3;
	s6 =	simm.s32 @!p1 $0x1082;
	[sflag:s4] =	ssyncset.s32 $0xFFFFF086  }
0x25: {  	[simem:s6], [sflag:s4] =	dma.local [hbm:s3], $0xF7A  }
0x26: {  	[smem:$0x3F9E] =	sst s1;
	(tag) =	ssettag s2;
	_ =	strace s9  }
0x27: {  	s1 =	sld [smem:$0x3FAE]  }
0x28: {  	s2 =	sld [smem:$0x3FAF]  }
0x29: {  	s4 =	sld [smem:$0x3FB1]  }
0x2a: {  	p0 =	seq.s32 s5, $0x0;
	s5 =	sld [smem:$0x3FB2]  }
0x2b: {  	s6 =	sld [smem:$0x3FB3]  }
0x2c: {  	s7 =	sld [smem:$0x3FB4]  }
0x2d: {  	s3 =	simm.s32 $0x108;
	s8 =	sld [smem:$0x3FB5]  }
0x2e: {  	s3 =	simm.s32 @!p0 $0x1082;
	s9 =	sld [smem:$0x3FB6]  }
0x2f: {  	lr =	sadd.s32 s0, s3;
	s0 =	sld [smem:$0x3FAD]  }
0x30: {  	s3 =	sld [smem:$0x3FB0]  }
0x31: {  	[smem:$0x3FB9] =	sst s10  }
0x32: {  	s10 =	sld [smem:$0x3FB7];
	_ =	sdelay $0x3  }
0x33: {  	p0 =	seq.s32 s10, $0x1;
	s10 =	sld [smem:$0x3FB9];
	_ =	sdelay $0x3  }
0x34: {  	[smem:$0x3FB9] =	sst s10  }
0x35: {  	s10 =	sld [smem:$0x3FB8];
	_ =	sdelay $0x3  }
0x36: {  	p1 =	seq.s32 s10, $0x1;
	s10 =	sld [smem:$0x3FB9];
	_ =	sdelay $0x3  }
0x37: {  	[smem:$0x3FB9] =	sst s10  }
0x38: {  	s10 =	sld [smem:$0x3FBA]  }
0x39: {  	_ = 	snop;
	(pc) =	sbr.ind lr, $3  }
0x3a: {  	_ = 	snop  }
0x3b: {  	_ = 	snop  }
0x3c: {  	p2 =	seq.s32 s10, $0x1;
	s10 =	sld [smem:$0x3FB9]  }
0x3d: {  	_ =	shalt  }
0x3e: {  	_ =	shalt  }
0x3f: {  	_ =	shalt  }
0x40: {  	_ =	shalt  }
0x41: {  	_ =	shalt  }
0x42: {  	_ =	shalt  }
0x43: {  	_ =	shalt  }
0x44: {  	_ =	shalt  }
0x45: {  	_ =	shalt  }
0x46: {  	_ =	shalt  }
0x47: {  	_ =	shalt  }
0x48: {  	_ =	shalt  }
0x49: {  	_ =	shalt  }
0x4a: {  	_ =	shalt  }
0x4b: {  	_ =	shalt  }
0x4c: {  	_ =	shalt  }
0x4d: {  	_ =	shalt  }
0x4e: {  	_ =	shalt  }
0x4f: {  	_ =	shalt  }
0x50: {  	_ =	shalt  }
0x51: {  	_ =	shalt  }
0x52: {  	_ =	shalt  }
0x53: {  	_ =	shalt  }
0x54: {  	_ =	shalt  }
0x55: {  	_ =	shalt  }
0x56: {  	_ =	shalt  }
0x57: {  	_ =	shalt  }
0x58: {  	_ =	shalt  }
0x59: {  	_ =	shalt  }
0x5a: {  	_ =	shalt  }
0x5b: {  	_ =	shalt  }
0x5c: {  	_ =	shalt  }
0x5d: {  	_ =	shalt  }
0x5e: {  	_ =	shalt  }
0x5f: {  	_ =	shalt  }
0x60: {  	_ =	shalt  }
0x61: {  	_ =	shalt  }
0x62: {  	_ =	shalt  }
0x63: {  	_ =	shalt  }
0x64: {  	_ =	shalt  }
0x65: {  	_ =	shalt  }
0x66: {  	_ =	shalt  }
0x67: {  	_ =	shalt  }
0x68: {  	_ =	shalt  }
0x69: {  	_ =	shalt  }
0x6a: {  	_ =	shalt  }
0x6b: {  	_ =	shalt  }
0x6c: {  	_ =	shalt  }
0x6d: {  	_ =	shalt  }
0x6e: {  	_ =	shalt  }
0x6f: {  	_ =	shalt  }
0x70: {  	_ =	shalt  }
0x71: {  	_ =	shalt  }
0x72: {  	_ =	shalt  }
0x73: {  	_ =	shalt  }
0x74: {  	_ =	shalt  }
0x75: {  	_ =	shalt  }
0x76: {  	_ =	shalt  }
0x77: {  	_ =	shalt  }
0x78: {  	_ =	shalt  }
0x79: {  	_ =	shalt  }
0x7a: {  	_ =	shalt  }
0x7b: {  	_ =	shalt  }
0x7c: {  	_ =	shalt  }
0x7d: {  	_ =	shalt  }
0x7e: {  	_ =	shalt  }
0x7f: {  	_ =	shalt  }
0x80: {  	_ =	shalt  }
0x81: {  	_ =	shalt  }
0x82: {  	_ =	shalt  }
0x83: {  	_ =	shalt  }
0x84: {  	_ =	shalt  }
0x85: {  	_ =	shalt  }
0x86: {  	_ =	shalt  }
0x87: {  	_ =	shalt  }
.Lfunc_end0:
.L_simem_size_0:
called_computation_lowered:
.L_overlay_start_0:
0x88: {  	s2 =	sld [smem:$0x3FD9]  }
0x89: {  	s3 =	sld [smem:$0x3FFE];
	_ =	sdelay $0x1  }
0x8a: {  	s1 =	srdreg.scid  }
0x8b: {  	s0 =	sand.u32 $0x1, s1  }
0x8c: {  	s17 =	sshll.u32 s0, $0xA;
	s2 =	sadd.s32 s3, s2  }
0x8d: {  	s2 =	sadd.s32 s2, s17  }
0x8e: {  	[smem:$0x3FC5] =	sst s2  }
0x8f: {  	_ = 	snop  }
0x90: {  	s2 =	sld [smem:$0x3FD0];
	(tm) =	ssettm $0x1  }
0x91: {  	s18 =	sld [smem:$0x3FFB];
	_ =	sdelay $0x3  }
0x92: {  	_ =	strace s18  }
0x93: {  	s3 =	sld [smem:$0x3FFC];
	_ =	sdelay $0x3  }
0x94: {  	_ =	strace s3  }
0x95: {  	s3 =	sld [smem:$0x3FFD];
	_ =	sdelay $0x3  }
0x96: {  	_ =	strace s3  }
0x97: {  	_ =	strace $0x8FFFFFFF  }
0x98: {  	s19 =	sld [smem:$0x3FDB];
	_ =	sdelay $0x1  }
0x99: {  	s4 =	simm.s32 $_scs_section_size  }
0x9a: {  	s5 =	simm.s32 $_size__tile_overlayer_lowered;
	s6 =	simm.s32 $_tile_overlayer_lowered  }
0x9b: {  	s22 =	simm.s32 $0x1BFF;
	s21 =	sshll.u32 s6, $0x1;
	s3 =	sadd.s32 s4, s19  }
0x9c: {  	s7 =	simm.s32 $0x0;
	s20 =	sshll.u32 s5, $0x1;
	s5 =	sadd.s32 s21, s3  }
0x9d: {  	[timem:s7], [sflag:s22] =	dma.local [hbm:s5], s20  }
0x9e: {  	_ =	swait.ge [sflag:s22], s20  }
0x9f: {  	s4 =	ssub.s32 $0x0, s20;
	[sflag:s22] =	ssyncset.done $0x0  }
0xa0: {  	[sflag:s22] =	ssyncadd.s32 s4;
	_ =	sdelay $0x1  }
0xa1: {  	s23 =	simm.s32 $0x1B8B  }
0xa2: {  	_ =	swait.ge [sflag:s23], $0x1  }
0xa3: {  	[sflag:s23] =	ssyncset.done $0x0  }
0xa4: {  	s25 =	simm.s32 $0x1B8E;
	s24 =	sld [smem:$0x3FFE];
	[sflag:s23] =	ssyncadd.s32 $0xFFFFFFFF  }
0xa5: {  	s26 =	simm.s32 $execute0_lowered;
	[smem:$0x3FD2] =	sst s25  }
0xa6: {  	s5 =	sshll.u32 s26, $0x1;
	_ =	strace $0x80000046;
	[dreg:$0x1] =	wrdreg $0xFFFFFFFF  }
0xa7: {  	s28 =	simm.s32 $_size_execute0_lowered;
	s3 =	sadd.s32 s3, s5;
	[dreg:$0x0] =	wrdreg $0x0  }
0xa8: {  	s5 =	sshll.u32 s28, $0x1;
	[dreg:$0x2] =	wrdreg s3  }
0xa9: {  	[dreg:$0x3] =	wrdreg s5  }
0xaa: {  	[dreg:$0x4] =	wrdreg $0xC0  }
0xab: {  	_ =	task [dreg:s7], $0x5FFFF  }
0xac: {  	[dreg:$0x1] =	wrdreg $0xFFFFFFFF  }
0xad: {  	[dreg:$0x0] =	wrdreg $0x60  }
0xae: {  	[dreg:$0x2] =	wrdreg s2  }
0xaf: {  	[dreg:$0x3] =	wrdreg s24  }
0xb0: {  	[dreg:$0x4] =	wrdreg $0xA8000  }
0xb1: {  	[dreg:$0x5] =	wrdreg $0x9  }
0xb2: {  	_ =	task.clear_ibuf [dreg:s7], $0x6FFFF;
	_ =	strace $0x90000046  }
0xb3: {  	s29 =	simm.s32 $0x9;
	_ =	strace $0x80000048  }
0xb4: {  	_ =	swait.ge [sflag:s29], $0x1  }
0xb5: {  	[sflag:s29] =	ssyncadd.s32 $0xFFFFFFFF  }
0xb6: {  	_ =	strace $0x90000048  }
0xb7: {  	_ =	sfence  }
0xb8: {  	s30 =	sld [smem:$0x0];
	_ =	sdelay $0x2  }
0xb9: {  	s31 =	sshll.u32 s1, $0xD;
	s1 =	sshrl.u32 s1, $0x2  }
0xba: {  	s3 =	sand.u32 $0x4000, s31;
	s1 =	sadd.s32 s1, s30  }
0xbb: {  	s0 =	sor.u32 s3, s0;
	s1 =	sshll.u32 s1, $0x11  }
0xbc: {  	s0 =	sor.u32 s1, s0  }
0xbd: {  	s0 =	sadd.s32 $0x8F2B, s0  }
0xbe: {  	[sflag:s0] =	ssyncadd.remote.s32 $0x1  }
0xbf: {  	_ =	sfence.sel $0xFFFF  }
0xc0: {  	[dreg:$0x0] =	wrdreg $0xFFFFFFFF;
	(pc) =	sbr.abs _section_cstart, $3  }
0xc1: {  	[dreg:$0x1] =	wrdreg $0xFFFFFFFF  }
0xc2: {  	_ =	task.clear_ibuf [dreg:s7], $0x2FFFF;
	_ =	strace $0x9FFFFFFF  }
0xc3: {  	(tm) =	ssettm $0x7FFFFFFF  }
tec
execute0_lowered:
.L_overlay_start_1:
0x0: {  	(tag) =	ssettag $0x1  }
0x1: {  	s1 =	rddreg [dreg:$0x0]  }
0x2: {  	s0 =	rddreg [dreg:$0x1]  }
0x3: {  	s2 =	rddreg [dreg:$0x2];
	s3 =	srdreg.scid  }
0x4: {  	s4 =	simm.s32 $0x0;
	s10 =	stileid.u32;
	s14 =	simm.s32 $0x9  }
0x5: {  	s16 =	simm.s32 $0x20;
	s17 =	simm.s32 $0x2800;
	s18 =	simm.s32 $0x3800  }
0x6: {  	s29 =	simm.s32 $0x8800;
	s30 =	simm.s32 $0xE0;
	s31 =	simm.s32 $0x9800  }
0x7: {  	s15 =	simm.s32 $0x6;
	s11 =	simm.s32 $0x2700;
	s12 =	simm.s32 $0x0  }
0x8: {  	s3 =	sand.u32 $0x1, s3;
	[smem:$0x7FF] =	sst s4;
	s6 =	smul.u32 $0x13C00, s10  }
0x9: {  	s7 =	sadd.s32 $0xA400, s0;
	s8 =	sadd.s32 $0x400, s0;
	s19 =	sadd.s32 $0x14400, s0  }
0xa: {  	s20 =	sshll.u32 s10, $0x1;
	s21 =	smul.u32 $0x4F000, s10;
	s23 =	sshll.u32 s10, $0x6  }
0xb: {  	s10 =	simm.s32 $0x8;
	s5 =	smul.u32 $0x13C000, s3;
	_ =	strace $0x80000047  }
0xc: {  	[dreg:$0x4] =	wrdreg s19;
	s9 =	ssub.s32 $0x2, s3;
	s3 =	sor.u32 s3, s20  }
0xd: {  	s20 =	simm.s32 $0x4800;
	s19 =	simm.s32 $0x2780;
	s22 =	sshrl.u32 s9, $0x1  }
0xe: {  	s3 =	smul.u32 $0x2800, s3;
	s5 =	sadd.s32 s6, s5;
	s6 =	sshrl.u32 s21, $0x2  }
0xf: {  	s5 =	sshrl.u32 s5, $0x3;
	s24 =	sadd.s32 s6, s2;
	s6 =	sor.u32 $0x1C09, s23  }
0x10: {  	s3 =	sshrl.u32 s3, $0x3;
	s23 =	simm.s32 $0x80;
	s0 =	sadd.s32 s5, s0  }
0x11: {  	s5 =	ssub.s32 s9, s22;
	s25 =	sadd.s32 s7, s3;
	s26 =	sadd.s32 s8, s3  }
0x12: {  	s3 =	sadd.s32 $0x280, s3;
	s13 =	sshrl.u32 s24, $0x3;
	[dreg:$0x5] =	wrdreg s25  }
0x13: {  	s22 =	simm.s32 $0x5800;
	[dreg:$0x6] =	wrdreg s26;
	s7 =	sadd.s32 s7, s3  }
0x14: {  	s24 =	simm.s32 $0x6800;
	s3 =	sadd.s32 s8, s3;
	[dreg:$0x7] =	wrdreg s7  }
0x15: {  	s9 =	simm.s32 $0x7;
	s0 =	sadd.s32 $0x16C00, s0;
	[dreg:$0x8] =	wrdreg s3  }
0x16: {  	s28 =	smax.u32 s5, $0x1;
	s26 =	simm.s32 $0x7800;
	[dreg:$0x9] =	wrdreg s0  }
0x17: {  	s5 =	simm.s32 $0x3;
	s8 =	simm.s32 $0x5;
	[dreg:$0xa] =	wrdreg s28  }
0x18: {  	s0 =	simm.s32 $0x1;
	s3 =	simm.s32 $0x2;
	s7 =	simm.s32 $0x4  }
.LBB2_1:
0x19: {  	s21 =	rddreg [dreg:$0x4]  }
0x1a: {  	[spmem:s13], [sflag:s6] =	dma.local [hbm:s21], $0x2780  }
0x1b: {  	_ =	swait.ge [sflag:s14], $0x2780  }
0x1c: {  	[sflag:s14] =	ssyncset.done $0x0  }
0x1d: {  	[sflag:s14] =	ssyncadd.s32 $0xFFFFD880  }
0x1e: {  	[bflag:$0x0] =	sbarrier.arrive $0xFFFF  }
0x1f: {  	s25 =	rddreg [dreg:$0x5]  }
0x20: {  	[tilespmem:s4], [sflag:$0x9] =	stream.linear.gather [hbm4b:s25+s4], $0x1400, $0x38;
	[tilespmem:$0x1E400] =	vst v63  }
0x21: {  	_ =	swait.ge [sflag:s14], $0x1400  }
0x22: {  	[sflag:s14] =	ssyncset.done $0x0  }
0x23: {  	s25 =	simm.s32 $0x1400;
	s28 =	rddreg [dreg:$0x6];
	[sflag:s14] =	ssyncadd.s32 $0xFFFFEC00  }
0x24: {  	[tilespmem:s25], [sflag:$0x9] =	stream.linear.gather [hbm4b:s28+s4], $0x1400, $0x38;
	[tilespmem:$0x1E400] =	vst v63  }
0x25: {  	_ =	swait.ge [sflag:s14], $0x1400  }
0x26: {  	[sflag:s14] =	ssyncset.done $0x0  }
0x27: {  	[sflag:s14] =	ssyncadd.s32 $0xFFFFEC00  }
0x28: {  	[tilespmem:s17], [sflag:$0x1] =	stream.indirect.gather [hbm4b:s1+s16], $0x80, s4, s16, $0xb8;
	[tilespmem:$0x1E400] =	vst v63  }
0x29: {  	_ = 	snop  }
0x2a: {  	[tilespmem:s18], [sflag:$0x2] =	stream.indirect.gather [hbm4b:s1+s16], $0x80, s16, s16, $0xb8;
	[tilespmem:$0x1E400] =	vst v63  }
0x2b: {  	s28 =	simm.s32 $0x40  }
0x2c: {  	[tilespmem:s20], [sflag:$0x3] =	stream.indirect.gather [hbm4b:s1+s16], $0x80, s28, s16, $0xb8;
	[tilespmem:$0x1E400] =	vst v63  }
0x2d: {  	s25 =	simm.s32 $0x60  }
0x2e: {  	[tilespmem:s22], [sflag:$0x4] =	stream.indirect.gather [hbm4b:s1+s16], $0x80, s25, s16, $0xb8;
	[tilespmem:$0x1E400] =	vst v63  }
0x2f: {  	_ = 	snop  }
0x30: {  	[tilespmem:s24], [sflag:$0x5] =	stream.indirect.gather [hbm4b:s1+s16], $0x80, s23, s16, $0xb8;
	[tilespmem:$0x1E400] =	vst v63  }
0x31: {  	s28 =	simm.s32 $0xA0  }
0x32: {  	[tilespmem:s26], [sflag:$0x6] =	stream.indirect.gather [hbm4b:s1+s16], $0x80, s28, s16, $0xb8;
	[tilespmem:$0x1E400] =	vst v63  }
0x33: {  	s25 =	simm.s32 $0xC0  }
0x34: {  	[tilespmem:s29], [sflag:$0x7] =	stream.indirect.gather [hbm4b:s1+s16], $0x80, s25, s16, $0xb8;
	[tilespmem:$0x1E400] =	vst v63  }
0x35: {  	_ = 	snop  }
0x36: {  	[tilespmem:s31], [sflag:$0x8] =	stream.indirect.gather [hbm4b:s1+s16], $0x80, s30, s16, $0xb8;
	[tilespmem:$0x1E400] =	vst v63  }
0x37: {  	_ =	swait.ge [sflag:s0], $0x1000  }
0x38: {  	[sflag:s0] =	ssyncset.done $0x0  }
0x39: {  	[sflag:s0] =	ssyncadd.s32 $0xFFFFF000  }
0x3a: {  	_ =	swait.ge [sflag:s3], $0x1000  }
0x3b: {  	[sflag:s3] =	ssyncset.done $0x0  }
0x3c: {  	[sflag:s3] =	ssyncadd.s32 $0xFFFFF000  }
0x3d: {  	_ =	swait.ge [sflag:s5], $0x1000  }
0x3e: {  	[sflag:s5] =	ssyncset.done $0x0  }
0x3f: {  	[sflag:s5] =	ssyncadd.s32 $0xFFFFF000  }
0x40: {  	_ =	swait.ge [sflag:s7], $0x1000  }
0x41: {  	[sflag:s7] =	ssyncset.done $0x0  }
0x42: {  	s28 =	simm.s32 $0x1400;
	[sflag:s7] =	ssyncadd.s32 $0xFFFFF000  }
0x43: {  	[spmem:s2] =	stream.indirect.scatter.add.f32 [tilespmem:s17], [sflag:$0x9], $0x80, s28, s23, $0xb8;
	[tilespmem:$0x1E400] =	vst v63  }
0x44: {  	_ =	swait.ge [sflag:s14], $0x4000  }
0x45: {  	[sflag:s14] =	ssyncset.done $0x0  }
0x46: {  	s25 =	simm.s32 $0x100;
	[sflag:s14] =	ssyncadd.s32 $0xFFFFC000  }
0x47: {  	[tilespmem:s17], [sflag:$0x1] =	stream.indirect.gather [hbm4b:s1+s16], $0x80, s25, s16, $0xb8;
	[tilespmem:$0x1E400] =	vst v63  }
0x48: {  	s28 =	simm.s32 $0x120  }
0x49: {  	[tilespmem:s18], [sflag:$0x2] =	stream.indirect.gather [hbm4b:s1+s16], $0x80, s28, s16, $0xb8;
	[tilespmem:$0x1E400] =	vst v63  }
0x4a: {  	s25 =	simm.s32 $0x140  }
0x4b: {  	[tilespmem:s20], [sflag:$0x3] =	stream.indirect.gather [hbm4b:s1+s16], $0x80, s25, s16, $0xb8;
	[tilespmem:$0x1E400] =	vst v63  }
0x4c: {  	s28 =	simm.s32 $0x160  }
0x4d: {  	[tilespmem:s22], [sflag:$0x4] =	stream.indirect.gather [hbm4b:s1+s16], $0x80, s28, s16, $0xb8;
	[tilespmem:$0x1E400] =	vst v63  }
0x4e: {  	_ =	swait.ge [sflag:s8], $0x1000  }
0x4f: {  	[sflag:s8] =	ssyncset.done $0x0  }
0x50: {  	[sflag:s8] =	ssyncadd.s32 $0xFFFFF000  }
0x51: {  	_ =	swait.ge [sflag:s15], $0x1000  }
0x52: {  	[sflag:s15] =	ssyncset.done $0x0  }
0x53: {  	[sflag:s15] =	ssyncadd.s32 $0xFFFFF000  }
0x54: {  	_ =	swait.ge [sflag:s9], $0x1000  }
0x55: {  	[sflag:s9] =	ssyncset.done $0x0  }
0x56: {  	[sflag:s9] =	ssyncadd.s32 $0xFFFFF000  }
0x57: {  	_ =	swait.ge [sflag:s10], $0x1000  }
0x58: {  	[sflag:s10] =	ssyncset.done $0x0  }
0x59: {  	s25 =	simm.s32 $0x1480;
	[sflag:s10] =	ssyncadd.s32 $0xFFFFF000  }
0x5a: {  	[spmem:s2] =	stream.indirect.scatter.add.f32 [tilespmem:s24], [sflag:$0x9], $0x80, s25, s23, $0xb8;
	[tilespmem:$0x1E400] =	vst v63  }
0x5b: {  	_ =	swait.ge [sflag:s14], $0x4000  }
0x5c: {  	[sflag:s14] =	ssyncset.done $0x0  }
0x5d: {  	s28 =	simm.s32 $0x180;
	[sflag:s14] =	ssyncadd.s32 $0xFFFFC000  }
0x5e: {  	[tilespmem:s24], [sflag:$0x5] =	stream.indirect.gather [hbm4b:s1+s16], $0x80, s28, s16, $0xb8;
	[tilespmem:$0x1E400] =	vst v63  }
0x5f: {  	s25 =	simm.s32 $0x1A0  }
0x60: {  	[tilespmem:s26], [sflag:$0x6] =	stream.indirect.gather [hbm4b:s1+s16], $0x80, s25, s16, $0xb8;
	[tilespmem:$0x1E400] =	vst v63  }
0x61: {  	s21 =	simm.s32 $0x400;
	s28 =	simm.s32 $0x1C0;
	s25 =	simm.s32 $0x1E0  }
0x62: {  	[tilespmem:s29], [sflag:$0x7] =	stream.indirect.gather [hbm4b:s1+s16], $0x80, s28, s16, $0xb8;
	[tilespmem:$0x1E400] =	vst v63  }
.LBB2_2:
0x63: {  	[tilespmem:s31], [sflag:$0x8] =	stream.indirect.gather [hbm4b:s1+s16], $0x80, s25, s16, $0xb8;
	[tilespmem:$0x1E400] =	vst v63  }
0x64: {  	s25 =	smov.u32 s21  }
0x65: {  	p0 =	sne.s32 s21, $0x4800;
	s21 =	sadd.s32 $0x400, s21;
	_ =	swait.ge [sflag:s0], $0x1000  }
0x66: {  	[sflag:s0] =	ssyncset.done $0x0  }
0x67: {  	[sflag:s0] =	ssyncadd.s32 $0xFFFFF000  }
0x68: {  	_ =	swait.ge [sflag:s3], $0x1000  }
0x69: {  	[sflag:s3] =	ssyncset.done $0x0  }
0x6a: {  	[sflag:s3] =	ssyncadd.s32 $0xFFFFF000  }
0x6b: {  	_ =	swait.ge [sflag:s5], $0x1000  }
0x6c: {  	[sflag:s5] =	ssyncset.done $0x0  }
0x6d: {  	[sflag:s5] =	ssyncadd.s32 $0xFFFFF000  }
0x6e: {  	_ =	swait.ge [sflag:s7], $0x1000  }
0x6f: {  	s25 =	sshra.s32 s25, $0x2;
	[sflag:s7] =	ssyncset.done $0x0  }
0x70: {  	s28 =	sadd.s32 $0x1400, s25;
	[sflag:s7] =	ssyncadd.s32 $0xFFFFF000  }
0x71: {  	[spmem:s2] =	stream.indirect.scatter.add.f32 [tilespmem:s17], [sflag:$0x9], $0x80, s28, s23, $0xb8;
	[tilespmem:$0x1E400] =	vst v63  }
0x72: {  	_ =	swait.ge [sflag:s14], $0x4000  }
0x73: {  	[sflag:s14] =	ssyncset.done $0x0  }
0x74: {  	s28 =	sadd.s32 $0x100, s25;
	[sflag:s14] =	ssyncadd.s32 $0xFFFFC000  }
0x75: {  	[tilespmem:s17], [sflag:$0x1] =	stream.indirect.gather [hbm4b:s1+s16], $0x80, s28, s16, $0xb8;
	[tilespmem:$0x1E400] =	vst v63  }
0x76: {  	s28 =	sadd.s32 $0x120, s25  }
0x77: {  	[tilespmem:s18], [sflag:$0x2] =	stream.indirect.gather [hbm4b:s1+s16], $0x80, s28, s16, $0xb8;
	[tilespmem:$0x1E400] =	vst v63  }
0x78: {  	s28 =	sadd.s32 $0x140, s25  }
0x79: {  	[tilespmem:s20], [sflag:$0x3] =	stream.indirect.gather [hbm4b:s1+s16], $0x80, s28, s16, $0xb8;
	[tilespmem:$0x1E400] =	vst v63  }
0x7a: {  	s28 =	sadd.s32 $0x160, s25  }
0x7b: {  	[tilespmem:s22], [sflag:$0x4] =	stream.indirect.gather [hbm4b:s1+s16], $0x80, s28, s16, $0xb8;
	[tilespmem:$0x1E400] =	vst v63  }
0x7c: {  	_ =	swait.ge [sflag:s8], $0x1000  }
0x7d: {  	[sflag:s8] =	ssyncset.done $0x0  }
0x7e: {  	[sflag:s8] =	ssyncadd.s32 $0xFFFFF000  }
0x7f: {  	_ =	swait.ge [sflag:s15], $0x1000  }
0x80: {  	[sflag:s15] =	ssyncset.done $0x0  }
0x81: {  	[sflag:s15] =	ssyncadd.s32 $0xFFFFF000  }
0x82: {  	_ =	swait.ge [sflag:s9], $0x1000  }
0x83: {  	[sflag:s9] =	ssyncset.done $0x0  }
0x84: {  	[sflag:s9] =	ssyncadd.s32 $0xFFFFF000  }
0x85: {  	_ =	swait.ge [sflag:s10], $0x1000  }
0x86: {  	[sflag:s10] =	ssyncset.done $0x0  }
0x87: {  	s28 =	sadd.s32 $0x1480, s25;
	[sflag:s10] =	ssyncadd.s32 $0xFFFFF000  }
0x88: {  	[spmem:s2] =	stream.indirect.scatter.add.f32 [tilespmem:s24], [sflag:$0x9], $0x80, s28, s23, $0xb8;
	[tilespmem:$0x1E400] =	vst v63  }
0x89: {  	_ =	swait.ge [sflag:s14], $0x4000  }
0x8a: {  	[sflag:s14] =	ssyncset.done $0x0  }
0x8b: {  	s28 =	sadd.s32 $0x180, s25;
	[sflag:s14] =	ssyncadd.s32 $0xFFFFC000  }
0x8c: {  	[tilespmem:s24], [sflag:$0x5] =	stream.indirect.gather [hbm4b:s1+s16], $0x80, s28, s16, $0xb8;
	[tilespmem:$0x1E400] =	vst v63  }
.Ltmp0:
0x8d: {  	s28 =	sadd.s32 $0x1A0, s25;
	(pc) =	sbr.rel @p0 .LBB2_2-.Ltmp0, $4  }
0x8e: {  	[tilespmem:s26], [sflag:$0x6] =	stream.indirect.gather [hbm4b:s1+s16], $0x80, s28, s16, $0xb8;
	[tilespmem:$0x1E400] =	vst v63  }
0x8f: {  	s28 =	sadd.s32 $0x1C0, s25  }
0x90: {  	[tilespmem:s29], [sflag:$0x7] =	stream.indirect.gather [hbm4b:s1+s16], $0x80, s28, s16, $0xb8;
	[tilespmem:$0x1E400] =	vst v63  }
0x91: {  	s25 =	sadd.s32 $0x1E0, s25  }
0x92: {  	[tilespmem:s31], [sflag:$0x8] =	stream.indirect.gather [hbm4b:s1+s16], $0x80, s25, s16, $0xb8;
	[tilespmem:$0x1E400] =	vst v63  }
0x93: {  	_ =	swait.ge [sflag:s0], $0x1000  }
0x94: {  	[sflag:s0] =	ssyncset.done $0x0  }
0x95: {  	[sflag:s0] =	ssyncadd.s32 $0xFFFFF000  }
0x96: {  	_ =	swait.ge [sflag:s3], $0x1000  }
0x97: {  	[sflag:s3] =	ssyncset.done $0x0  }
0x98: {  	[sflag:s3] =	ssyncadd.s32 $0xFFFFF000  }
0x99: {  	_ =	swait.ge [sflag:s5], $0x1000  }
0x9a: {  	[sflag:s5] =	ssyncset.done $0x0  }
0x9b: {  	[sflag:s5] =	ssyncadd.s32 $0xFFFFF000  }
0x9c: {  	_ =	swait.ge [sflag:s7], $0x1000  }
0x9d: {  	[sflag:s7] =	ssyncset.done $0x0  }
0x9e: {  	[sflag:s7] =	ssyncadd.s32 $0xFFFFF000  }
0x9f: {  	[spmem:s2] =	stream.indirect.scatter.add.f32 [tilespmem:s17], [sflag:$0x9], $0x80, s11, s23, $0xb8;
	[tilespmem:$0x1E400] =	vst v63  }
0xa0: {  	_ =	swait.ge [sflag:s14], $0x4000  }
0xa1: {  	[sflag:s14] =	ssyncset.done $0x0  }
0xa2: {  	[sflag:s14] =	ssyncadd.s32 $0xFFFFC000  }
0xa3: {  	_ =	swait.ge [sflag:s8], $0x1000  }
0xa4: {  	[sflag:s8] =	ssyncset.done $0x0  }
0xa5: {  	[sflag:s8] =	ssyncadd.s32 $0xFFFFF000  }
0xa6: {  	_ =	swait.ge [sflag:s15], $0x1000  }
0xa7: {  	[sflag:s15] =	ssyncset.done $0x0  }
0xa8: {  	[sflag:s15] =	ssyncadd.s32 $0xFFFFF000  }
0xa9: {  	_ =	swait.ge [sflag:s9], $0x1000  }
0xaa: {  	[sflag:s9] =	ssyncset.done $0x0  }
0xab: {  	[sflag:s9] =	ssyncadd.s32 $0xFFFFF000  }
0xac: {  	_ =	swait.ge [sflag:s10], $0x1000  }
0xad: {  	[sflag:s10] =	ssyncset.done $0x0  }
0xae: {  	[sflag:s10] =	ssyncadd.s32 $0xFFFFF000  }
0xaf: {  	[spmem:s2] =	stream.indirect.scatter.add.f32 [tilespmem:s24], [sflag:$0x9], $0x80, s19, s23, $0xb8;
	[tilespmem:$0x1E400] =	vst v63  }
0xb0: {  	_ =	swait.ge [sflag:s14], $0x4000  }
0xb1: {  	[sflag:s14] =	ssyncset.done $0x0  }
0xb2: {  	s21 =	simm.s32 $0x0;
	s28 =	rddreg [dreg:$0x7];
	[sflag:s14] =	ssyncadd.s32 $0xFFFFC000  }
0xb3: {  	[tilespmem:s21], [sflag:$0x9] =	stream.linear.gather [hbm4b:s28+s21], $0x1400, $0x38;
	[tilespmem:$0x1E400] =	vst v63  }
0xb4: {  	_ =	swait.ge [sflag:s14], $0x1400  }
0xb5: {  	[sflag:s14] =	ssyncset.done $0x0  }
0xb6: {  	s28 =	simm.s32 $0x1400;
	s25 =	rddreg [dreg:$0x8];
	[sflag:s14] =	ssyncadd.s32 $0xFFFFEC00  }
0xb7: {  	[tilespmem:s28], [sflag:$0x9] =	stream.linear.gather [hbm4b:s25+s21], $0x1400, $0x38;
	[tilespmem:$0x1E400] =	vst v63  }
0xb8: {  	_ =	swait.ge [sflag:s14], $0x1400  }
0xb9: {  	[sflag:s14] =	ssyncset.done $0x0  }
0xba: {  	[sflag:s14] =	ssyncadd.s32 $0xFFFFEC00  }
0xbb: {  	[tilespmem:s17], [sflag:$0x1] =	stream.indirect.gather [hbm4b:s1+s16], $0x80, s21, s16, $0xb8;
	[tilespmem:$0x1E400] =	vst v63  }
0xbc: {  	_ = 	snop  }
0xbd: {  	[tilespmem:s18], [sflag:$0x2] =	stream.indirect.gather [hbm4b:s1+s16], $0x80, s16, s16, $0xb8;
	[tilespmem:$0x1E400] =	vst v63  }
0xbe: {  	s28 =	simm.s32 $0x40  }
0xbf: {  	[tilespmem:s20], [sflag:$0x3] =	stream.indirect.gather [hbm4b:s1+s16], $0x80, s28, s16, $0xb8;
	[tilespmem:$0x1E400] =	vst v63  }
0xc0: {  	s25 =	simm.s32 $0x60  }
0xc1: {  	[tilespmem:s22], [sflag:$0x4] =	stream.indirect.gather [hbm4b:s1+s16], $0x80, s25, s16, $0xb8;
	[tilespmem:$0x1E400] =	vst v63  }
0xc2: {  	_ = 	snop  }
0xc3: {  	[tilespmem:s24], [sflag:$0x5] =	stream.indirect.gather [hbm4b:s1+s16], $0x80, s23, s16, $0xb8;
	[tilespmem:$0x1E400] =	vst v63  }
0xc4: {  	s28 =	simm.s32 $0xA0  }
0xc5: {  	[tilespmem:s26], [sflag:$0x6] =	stream.indirect.gather [hbm4b:s1+s16], $0x80, s28, s16, $0xb8;
	[tilespmem:$0x1E400] =	vst v63  }
0xc6: {  	s25 =	simm.s32 $0xC0  }
0xc7: {  	[tilespmem:s29], [sflag:$0x7] =	stream.indirect.gather [hbm4b:s1+s16], $0x80, s25, s16, $0xb8;
	[tilespmem:$0x1E400] =	vst v63  }
0xc8: {  	_ = 	snop  }
0xc9: {  	[tilespmem:s31], [sflag:$0x8] =	stream.indirect.gather [hbm4b:s1+s16], $0x80, s30, s16, $0xb8;
	[tilespmem:$0x1E400] =	vst v63  }
0xca: {  	_ =	swait.ge [sflag:s0], $0x1000  }
0xcb: {  	[sflag:s0] =	ssyncset.done $0x0  }
0xcc: {  	[sflag:s0] =	ssyncadd.s32 $0xFFFFF000  }
0xcd: {  	_ =	swait.ge [sflag:s3], $0x1000  }
0xce: {  	[sflag:s3] =	ssyncset.done $0x0  }
0xcf: {  	[sflag:s3] =	ssyncadd.s32 $0xFFFFF000  }
0xd0: {  	_ =	swait.ge [sflag:s5], $0x1000  }
0xd1: {  	[sflag:s5] =	ssyncset.done $0x0  }
0xd2: {  	[sflag:s5] =	ssyncadd.s32 $0xFFFFF000  }
0xd3: {  	_ =	swait.ge [sflag:s7], $0x1000  }
0xd4: {  	[sflag:s7] =	ssyncset.done $0x0  }
0xd5: {  	s28 =	simm.s32 $0x1400;
	[sflag:s7] =	ssyncadd.s32 $0xFFFFF000  }
0xd6: {  	[spmem:s2] =	stream.indirect.scatter.add.f32 [tilespmem:s17], [sflag:$0x9], $0x80, s28, s23, $0xb8;
	[tilespmem:$0x1E400] =	vst v63  }
0xd7: {  	_ =	swait.ge [sflag:s14], $0x4000  }
0xd8: {  	[sflag:s14] =	ssyncset.done $0x0  }
0xd9: {  	s25 =	simm.s32 $0x100;
	[sflag:s14] =	ssyncadd.s32 $0xFFFFC000  }
0xda: {  	[tilespmem:s17], [sflag:$0x1] =	stream.indirect.gather [hbm4b:s1+s16], $0x80, s25, s16, $0xb8;
	[tilespmem:$0x1E400] =	vst v63  }
0xdb: {  	s28 =	simm.s32 $0x120  }
0xdc: {  	[tilespmem:s18], [sflag:$0x2] =	stream.indirect.gather [hbm4b:s1+s16], $0x80, s28, s16, $0xb8;
	[tilespmem:$0x1E400] =	vst v63  }
0xdd: {  	s25 =	simm.s32 $0x140  }
0xde: {  	[tilespmem:s20], [sflag:$0x3] =	stream.indirect.gather [hbm4b:s1+s16], $0x80, s25, s16, $0xb8;
	[tilespmem:$0x1E400] =	vst v63  }
0xdf: {  	s28 =	simm.s32 $0x160  }
0xe0: {  	[tilespmem:s22], [sflag:$0x4] =	stream.indirect.gather [hbm4b:s1+s16], $0x80, s28, s16, $0xb8;
	[tilespmem:$0x1E400] =	vst v63  }
0xe1: {  	_ =	swait.ge [sflag:s8], $0x1000  }
0xe2: {  	[sflag:s8] =	ssyncset.done $0x0  }
0xe3: {  	[sflag:s8] =	ssyncadd.s32 $0xFFFFF000  }
0xe4: {  	_ =	swait.ge [sflag:s15], $0x1000  }
0xe5: {  	[sflag:s15] =	ssyncset.done $0x0  }
0xe6: {  	[sflag:s15] =	ssyncadd.s32 $0xFFFFF000  }
0xe7: {  	_ =	swait.ge [sflag:s9], $0x1000  }
0xe8: {  	[sflag:s9] =	ssyncset.done $0x0  }
0xe9: {  	[sflag:s9] =	ssyncadd.s32 $0xFFFFF000  }
0xea: {  	_ =	swait.ge [sflag:s10], $0x1000  }
0xeb: {  	[sflag:s10] =	ssyncset.done $0x0  }
0xec: {  	s25 =	simm.s32 $0x1480;
	[sflag:s10] =	ssyncadd.s32 $0xFFFFF000  }
0xed: {  	[spmem:s2] =	stream.indirect.scatter.add.f32 [tilespmem:s24], [sflag:$0x9], $0x80, s25, s23, $0xb8;
	[tilespmem:$0x1E400] =	vst v63  }
0xee: {  	_ =	swait.ge [sflag:s14], $0x4000  }
0xef: {  	[sflag:s14] =	ssyncset.done $0x0  }
0xf0: {  	s28 =	simm.s32 $0x180;
	[sflag:s14] =	ssyncadd.s32 $0xFFFFC000  }
0xf1: {  	[tilespmem:s24], [sflag:$0x5] =	stream.indirect.gather [hbm4b:s1+s16], $0x80, s28, s16, $0xb8;
	[tilespmem:$0x1E400] =	vst v63  }
0xf2: {  	s25 =	simm.s32 $0x1A0  }
0xf3: {  	[tilespmem:s26], [sflag:$0x6] =	stream.indirect.gather [hbm4b:s1+s16], $0x80, s25, s16, $0xb8;
	[tilespmem:$0x1E400] =	vst v63  }
0xf4: {  	s21 =	simm.s32 $0x400;
	s28 =	simm.s32 $0x1C0;
	s25 =	simm.s32 $0x1E0  }
0xf5: {  	[tilespmem:s29], [sflag:$0x7] =	stream.indirect.gather [hbm4b:s1+s16], $0x80, s28, s16, $0xb8;
	[tilespmem:$0x1E400] =	vst v63  }
.LBB2_4:
0xf6: {  	[tilespmem:s31], [sflag:$0x8] =	stream.indirect.gather [hbm4b:s1+s16], $0x80, s25, s16, $0xb8;
	[tilespmem:$0x1E400] =	vst v63  }
0xf7: {  	s25 =	smov.u32 s21  }
0xf8: {  	p0 =	sne.s32 s21, $0x4800;
	s21 =	sadd.s32 $0x400, s21;
	_ =	swait.ge [sflag:s0], $0x1000  }
0xf9: {  	[sflag:s0] =	ssyncset.done $0x0  }
0xfa: {  	[sflag:s0] =	ssyncadd.s32 $0xFFFFF000  }
0xfb: {  	_ =	swait.ge [sflag:s3], $0x1000  }
0xfc: {  	[sflag:s3] =	ssyncset.done $0x0  }
0xfd: {  	[sflag:s3] =	ssyncadd.s32 $0xFFFFF000  }
0xfe: {  	_ =	swait.ge [sflag:s5], $0x1000  }
0xff: {  	[sflag:s5] =	ssyncset.done $0x0  }
0x100: {  	[sflag:s5] =	ssyncadd.s32 $0xFFFFF000  }
0x101: {  	_ =	swait.ge [sflag:s7], $0x1000  }
0x102: {  	s25 =	sshra.s32 s25, $0x2;
	[sflag:s7] =	ssyncset.done $0x0  }
0x103: {  	s28 =	sadd.s32 $0x1400, s25;
	[sflag:s7] =	ssyncadd.s32 $0xFFFFF000  }
0x104: {  	[spmem:s2] =	stream.indirect.scatter.add.f32 [tilespmem:s17], [sflag:$0x9], $0x80, s28, s23, $0xb8;
	[tilespmem:$0x1E400] =	vst v63  }
0x105: {  	_ =	swait.ge [sflag:s14], $0x4000  }
0x106: {  	[sflag:s14] =	ssyncset.done $0x0  }
0x107: {  	s28 =	sadd.s32 $0x100, s25;
	[sflag:s14] =	ssyncadd.s32 $0xFFFFC000  }
0x108: {  	[tilespmem:s17], [sflag:$0x1] =	stream.indirect.gather [hbm4b:s1+s16], $0x80, s28, s16, $0xb8;
	[tilespmem:$0x1E400] =	vst v63  }
0x109: {  	s28 =	sadd.s32 $0x120, s25  }
0x10a: {  	[tilespmem:s18], [sflag:$0x2] =	stream.indirect.gather [hbm4b:s1+s16], $0x80, s28, s16, $0xb8;
	[tilespmem:$0x1E400] =	vst v63  }
0x10b: {  	s28 =	sadd.s32 $0x140, s25  }
0x10c: {  	[tilespmem:s20], [sflag:$0x3] =	stream.indirect.gather [hbm4b:s1+s16], $0x80, s28, s16, $0xb8;
	[tilespmem:$0x1E400] =	vst v63  }
0x10d: {  	s28 =	sadd.s32 $0x160, s25  }
0x10e: {  	[tilespmem:s22], [sflag:$0x4] =	stream.indirect.gather [hbm4b:s1+s16], $0x80, s28, s16, $0xb8;
	[tilespmem:$0x1E400] =	vst v63  }
0x10f: {  	_ =	swait.ge [sflag:s8], $0x1000  }
0x110: {  	[sflag:s8] =	ssyncset.done $0x0  }
0x111: {  	[sflag:s8] =	ssyncadd.s32 $0xFFFFF000  }
0x112: {  	_ =	swait.ge [sflag:s15], $0x1000  }
0x113: {  	[sflag:s15] =	ssyncset.done $0x0  }
0x114: {  	[sflag:s15] =	ssyncadd.s32 $0xFFFFF000  }
0x115: {  	_ =	swait.ge [sflag:s9], $0x1000  }
0x116: {  	[sflag:s9] =	ssyncset.done $0x0  }
0x117: {  	[sflag:s9] =	ssyncadd.s32 $0xFFFFF000  }
0x118: {  	_ =	swait.ge [sflag:s10], $0x1000  }
0x119: {  	[sflag:s10] =	ssyncset.done $0x0  }
0x11a: {  	s28 =	sadd.s32 $0x1480, s25;
	[sflag:s10] =	ssyncadd.s32 $0xFFFFF000  }
0x11b: {  	[spmem:s2] =	stream.indirect.scatter.add.f32 [tilespmem:s24], [sflag:$0x9], $0x80, s28, s23, $0xb8;
	[tilespmem:$0x1E400] =	vst v63  }
0x11c: {  	_ =	swait.ge [sflag:s14], $0x4000  }
0x11d: {  	[sflag:s14] =	ssyncset.done $0x0  }
0x11e: {  	s28 =	sadd.s32 $0x180, s25;
	[sflag:s14] =	ssyncadd.s32 $0xFFFFC000  }
0x11f: {  	[tilespmem:s24], [sflag:$0x5] =	stream.indirect.gather [hbm4b:s1+s16], $0x80, s28, s16, $0xb8;
	[tilespmem:$0x1E400] =	vst v63  }
.Ltmp1:
0x120: {  	s28 =	sadd.s32 $0x1A0, s25;
	(pc) =	sbr.rel @p0 .LBB2_4-.Ltmp1, $4  }
0x121: {  	[tilespmem:s26], [sflag:$0x6] =	stream.indirect.gather [hbm4b:s1+s16], $0x80, s28, s16, $0xb8;
	[tilespmem:$0x1E400] =	vst v63  }
0x122: {  	s28 =	sadd.s32 $0x1C0, s25  }
0x123: {  	[tilespmem:s29], [sflag:$0x7] =	stream.indirect.gather [hbm4b:s1+s16], $0x80, s28, s16, $0xb8;
	[tilespmem:$0x1E400] =	vst v63  }
0x124: {  	s25 =	sadd.s32 $0x1E0, s25  }
0x125: {  	[tilespmem:s31], [sflag:$0x8] =	stream.indirect.gather [hbm4b:s1+s16], $0x80, s25, s16, $0xb8;
	[tilespmem:$0x1E400] =	vst v63  }
0x126: {  	_ =	swait.ge [sflag:s0], $0x1000  }
0x127: {  	[sflag:s0] =	ssyncset.done $0x0  }
0x128: {  	[sflag:s0] =	ssyncadd.s32 $0xFFFFF000  }
0x129: {  	_ =	swait.ge [sflag:s3], $0x1000  }
0x12a: {  	[sflag:s3] =	ssyncset.done $0x0  }
0x12b: {  	[sflag:s3] =	ssyncadd.s32 $0xFFFFF000  }
0x12c: {  	_ =	swait.ge [sflag:s5], $0x1000  }
0x12d: {  	[sflag:s5] =	ssyncset.done $0x0  }
0x12e: {  	[sflag:s5] =	ssyncadd.s32 $0xFFFFF000  }
0x12f: {  	_ =	swait.ge [sflag:s7], $0x1000  }
0x130: {  	[sflag:s7] =	ssyncset.done $0x0  }
0x131: {  	[sflag:s7] =	ssyncadd.s32 $0xFFFFF000  }
0x132: {  	[spmem:s2] =	stream.indirect.scatter.add.f32 [tilespmem:s17], [sflag:$0x9], $0x80, s11, s23, $0xb8;
	[tilespmem:$0x1E400] =	vst v63  }
0x133: {  	_ =	swait.ge [sflag:s14], $0x4000  }
0x134: {  	[sflag:s14] =	ssyncset.done $0x0  }
0x135: {  	[sflag:s14] =	ssyncadd.s32 $0xFFFFC000  }
0x136: {  	_ =	swait.ge [sflag:s8], $0x1000  }
0x137: {  	[sflag:s8] =	ssyncset.done $0x0  }
0x138: {  	[sflag:s8] =	ssyncadd.s32 $0xFFFFF000  }
0x139: {  	_ =	swait.ge [sflag:s15], $0x1000  }
0x13a: {  	[sflag:s15] =	ssyncset.done $0x0  }
0x13b: {  	[sflag:s15] =	ssyncadd.s32 $0xFFFFF000  }
0x13c: {  	_ =	swait.ge [sflag:s9], $0x1000  }
0x13d: {  	[sflag:s9] =	ssyncset.done $0x0  }
0x13e: {  	[sflag:s9] =	ssyncadd.s32 $0xFFFFF000  }
0x13f: {  	_ =	swait.ge [sflag:s10], $0x1000  }
0x140: {  	[sflag:s10] =	ssyncset.done $0x0  }
0x141: {  	[sflag:s10] =	ssyncadd.s32 $0xFFFFF000  }
0x142: {  	[spmem:s2] =	stream.indirect.scatter.add.f32 [tilespmem:s24], [sflag:$0x9], $0x80, s19, s23, $0xb8;
	[tilespmem:$0x1E400] =	vst v63  }
0x143: {  	_ =	swait.ge [sflag:s14], $0x4000  }
0x144: {  	[sflag:s14] =	ssyncset.done $0x0  }
0x145: {  	[sflag:s14] =	ssyncadd.s32 $0xFFFFC000  }
0x146: {  	[bflag:$0x0] =	sbarrier.arrive $0xFFFF  }
0x147: {  	s21 =	rddreg [dreg:$0x9]  }
0x148: {  	[hbm:s21], [sflag:s6] =	dma.local [spmem:s13], $0x2780  }
0x149: {  	_ =	swait.ge [sflag:s14], $0x2780  }
0x14a: {  	s12 =	sadd.s32 $0x1, s12;
	s28 =	rddreg [dreg:$0xa]  }
0x14b: {  	p0 =	sne.s32 s12, s28  }
.Ltmp2:
0x14c: {  	_ = 	snop;
	(pc) =	sbr.rel @p0 .LBB2_1-.Ltmp2, $3  }
0x14d: {  	_ =	sdelay $0x1  }
0x14e: {  	[sflag:s14] =	ssyncset.done $0x0  }
0x14f: {  	[sflag:s14] =	ssyncadd.s32 $0xFFFFD880  }
0x150: {  	_ =	sfence.sel $0x180000  }
0x151: {  	[bflag:$0x0] =	sbarrier.arrive $0xFFFF  }
0x152: {  	_ =	strace $0x90000047  }
0x153: {  	s0 =	stileid.u32;
	[bflag:$0x2] =	sbarrier.arrive $0xFFFF  }
0x154: {  	p0 =	sne.s32 s0, $0x0;
	s0 =	rddreg [dreg:$0x3]  }
0x155: {  	s0 =	sadd.s32 @!p0 $0x100000, s0  }
0x156: {  	[sflag:s0] =	ssyncadd.tile.s32 @!p0 $0x1;
	_ =	shalt  }
.Lfunc_end2:
_tile_overlayer_lowered:
.L_overlay_start_2:
0x157: {  	(tag) =	ssettag $0x2  }
0x158: {  	s0 =	rddreg [dreg:$0x0];
	s2 =	stileid.u32  }
0x159: {  	s1 =	rddreg [dreg:$0x1];
	p0 =	sne.s32 s2, $0x0  }
0x15a: {  	s3 =	rddreg [dreg:$0x2];
	[bflag:$0x3] =	sbarrier.arrive $0xFFFF;
	s2 =	simm.s32 @!p0 $0x1C09  }
0x15b: {  	[timem:s3], [sflag:s2] =	dma.local @!p0 [hbm:s0], s1  }
0x15c: {  	s0 =	simm.s32 @!p0 $0x9  }
0x15d: {  	_ =	swait.ge @!p0 [sflag:s0], s1  }
0x15e: {  	s1 =	ssub.s32 @!p0 $0x0, s1;
	[sflag:s0] =	ssyncset.done @!p0 $0x0  }
0x15f: {  	[sflag:s0] =	ssyncadd.s32 @!p0 s1  }
0x160: {  	[bflag:$0x3] =	sbarrier.arrive $0xFFFF  }
0x161: {  	_ =	shalt  }

</sc_bundles>
